<compile_context>
chip_gen: v7x
topology: tpu7x:2x2x1
jax: 0.10.2.dev20260603
libtpu: 0.0.44.dev20260713+nightly
codegen_flags: <defaults>
</compile_context>

<pallas_src>
import functools

import jax
import jax.numpy as jnp
from jax import lax
from jax.experimental import pallas as pl
from jax.experimental.pallas import tpu as pltpu
from jax.experimental.pallas import tpu_sc as plsc

N_NODE = 10000
E_EDGE = 160000
D_IN = 128
HID = 128
HEADS = 8
DH = 16
N_CLS = 16

NC = 2
NS = 16
NW = NC * NS
CHUNK = 112
NCHUNK = 46
EPW = CHUNK * NCHUNK
E_PAD = NW * EPW
ROWW = HID + 16
TW = 160
N_ACC = 10016
RPW = N_ACC // NS

_BA = 400


def _linear_kernel(x_ref, w_ref, b_ref, o_ref):
    o_ref[...] = (
        jnp.dot(x_ref[...], w_ref[...], preferred_element_type=jnp.float32)
        + b_ref[...]
    ).astype(o_ref.dtype)


def _tc_linear(x, w, b, width, dtype):
    n = x.shape[0]
    grid = n // _BA
    return pl.pallas_call(
        _linear_kernel,
        grid=(grid,),
        in_specs=[
            pl.BlockSpec((_BA, D_IN), lambda i: (i, 0)),
            pl.BlockSpec((D_IN, width), lambda i: (0, 0)),
            pl.BlockSpec((1, width), lambda i: (0, 0)),
        ],
        out_specs=pl.BlockSpec((_BA, width), lambda i: (i, 0)),
        out_shape=jax.ShapeDtypeStruct((n, width), dtype),
    )(x, w, b[None, :])


def _tc_linear_pad(x, w, b, width, dtype, out_rows):
    n = x.shape[0]
    grid = n // _BA
    return pl.pallas_call(
        _linear_kernel,
        grid=(grid,),
        in_specs=[
            pl.BlockSpec((_BA, D_IN), lambda i: (i, 0)),
            pl.BlockSpec((D_IN, width), lambda i: (0, 0)),
            pl.BlockSpec((1, width), lambda i: (0, 0)),
        ],
        out_specs=pl.BlockSpec((_BA, width), lambda i: (i, 0)),
        out_shape=jax.ShapeDtypeStruct((out_rows, width), dtype),
    )(x, w, b[None, :])


def _edge_body(tsrc_hbm, adst_hbm, sidx_hbm, didx_hbm, zero_hbm, out_hbm,
               ib0, ib1, rows0_v, rows1_v, ad0_v, ad1_v, sc_v, acc_sh,
               sem0, sem1, semi0, semi1):
    c = lax.axis_index("c")
    s = lax.axis_index("s")
    wid = s * NC + c
    nstep = NCHUNK // 2

    def start(ib, rows, ad, sem):
        pltpu.async_copy(tsrc_hbm.at[ib.at[0]], rows, sem)
        pltpu.async_copy(adst_hbm.at[ib.at[1]], ad, sem)

    def waitb(rows, ad, sem):
        pltpu.make_async_copy(tsrc_hbm.at[pl.ds(0, CHUNK)], rows, sem).wait()
        pltpu.make_async_copy(adst_hbm.at[pl.ds(0, CHUNK)], ad, sem).wait()

    def fetch_idx(k, ib, semi):
        pltpu.async_copy(sidx_hbm.at[wid, k], ib.at[0], semi)
        pltpu.async_copy(didx_hbm.at[wid, k], ib.at[1], semi)

    def wait_idx(ib, semi):
        pltpu.make_async_copy(sidx_hbm.at[0, 0], ib.at[0], semi).wait()
        pltpu.make_async_copy(didx_hbm.at[0, 0], ib.at[1], semi).wait()

    mask_hi = jnp.int32(-65536)

    def compute(rows, ad):
        def edge_body(e):
            xa = plsc.bitcast(rows[e, pl.ds(4 * 32, 32)], jnp.int32)
            a_s = plsc.bitcast(xa << 16, jnp.float32)
            l = a_s + ad[e]
            l = jnp.where(l >= 0.0, l, l * 0.2)
            w = jnp.exp(l)
            sc_v[e, pl.ds(HID, 16)] = w
            for j in range(4):
                x = plsc.bitcast(rows[e, pl.ds(32 * j, 32)], jnp.int32)
                lo = plsc.bitcast(x << 16, jnp.float32)
                hi = plsc.bitcast(x & mask_hi, jnp.float32)
                sc_v[e, pl.ds(32 * j, 16)] = lo * w[2 * j]
                sc_v[e, pl.ds(32 * j + 16, 16)] = hi * w[2 * j + 1]

        plsc.parallel_loop(0, CHUNK, unroll=2)(edge_body)

    def scat(ib):
        pltpu.sync_copy(sc_v, acc_sh.at[ib.at[1]], add=True)

    fetch_idx(0, ib0, semi0)
    fetch_idx(1, ib1, semi1)
    wait_idx(ib0, semi0)
    start(ib0, rows0_v, ad0_v, sem0)
    pltpu.sync_copy(zero_hbm.at[pl.ds(s * RPW, RPW)],
                    acc_sh.at[pl.ds(s * RPW, RPW)])
    plsc.subcore_barrier()

    def step(t, _):
        c0 = 2 * t

        wait_idx(ib1, semi1)
        start(ib1, rows1_v, ad1_v, sem1)
        waitb(rows0_v, ad0_v, sem0)
        compute(rows0_v, ad0_v)
        scat(ib0)

        @pl.when(t < nstep - 1)
        def _():
            fetch_idx(c0 + 2, ib0, semi0)
            wait_idx(ib0, semi0)
            start(ib0, rows0_v, ad0_v, sem0)

        waitb(rows1_v, ad1_v, sem1)
        compute(rows1_v, ad1_v)
        scat(ib1)

        @pl.when(t < nstep - 1)
        def _():
            fetch_idx(c0 + 3, ib1, semi1)

        return 0

    lax.fori_loop(0, nstep, step, 0)
    plsc.subcore_barrier()

    pltpu.sync_copy(acc_sh.at[pl.ds(s * RPW, RPW)],
                    out_hbm.at[c].at[pl.ds(s * RPW, RPW)])


def _edge_phase(tsrc, adst, sidx, didx, zero):
    mesh = plsc.VectorSubcoreMesh(core_axis_name="c", subcore_axis_name="s")
    f = functools.partial(
        pl.kernel,
        out_type=jax.ShapeDtypeStruct((NC, N_ACC, ROWW), jnp.float32),
        mesh=mesh,
        scratch_types=[
            pltpu.VMEM((2, CHUNK), jnp.int32),
            pltpu.VMEM((2, CHUNK), jnp.int32),
            pltpu.VMEM((CHUNK, TW), jnp.bfloat16),
            pltpu.VMEM((CHUNK, TW), jnp.bfloat16),
            pltpu.VMEM((CHUNK, 16), jnp.float32),
            pltpu.VMEM((CHUNK, 16), jnp.float32),
            pltpu.VMEM((CHUNK, ROWW), jnp.float32),
            pltpu.VMEM_SHARED((N_ACC, ROWW), jnp.float32),
            pltpu.SemaphoreType.DMA,
            pltpu.SemaphoreType.DMA,
            pltpu.SemaphoreType.DMA,
            pltpu.SemaphoreType.DMA,
        ],
        compiler_params=pltpu.CompilerParams(use_tc_tiling_on_sc=False, needs_layout_passes=False),
    )(_edge_body)
    return f(tsrc, adst, sidx, didx, zero)


def _post_kernel(acc_ref, bden_ref, wout_ref, bout_ref, o_ref):
    x = acc_ref[0] + acc_ref[1]
    denb = jnp.dot(x, bden_ref[...], preferred_element_type=jnp.float32)
    h = jnp.maximum(x[:, :HID], 0.0)
    out = h / (denb + 1e-16)
    y = (
        jnp.dot(out, wout_ref[...], preferred_element_type=jnp.float32)
        + bout_ref[...]
    )
    m = jnp.max(y, axis=1, keepdims=True)
    e = jnp.exp(y - m)
    o_ref[...] = e / jnp.sum(e, axis=1, keepdims=True)


def _post_phase(acc, bden, w_out, b_out):
    grid = N_NODE // _BA
    return pl.pallas_call(
        _post_kernel,
        grid=(grid,),
        in_specs=[
            pl.BlockSpec((NC, _BA, ROWW), lambda i: (0, i, 0)),
            pl.BlockSpec((ROWW, HID), lambda i: (0, 0)),
            pl.BlockSpec((HID, N_CLS), lambda i: (0, 0)),
            pl.BlockSpec((1, N_CLS), lambda i: (0, 0)),
        ],
        out_specs=pl.BlockSpec((_BA, N_CLS), lambda i: (i, 0)),
        out_shape=jax.ShapeDtypeStruct((N_NODE, N_CLS), jnp.float32),
    )(acc, bden, w_out, b_out[None, :])


def kernel(x_Admission, x_Patient, ei_p2a, ei_a2p, W_adm, b_adm, W_pat, b_pat,
           att_src_p2a, att_dst_p2a, att_src_a2p, att_dst_a2p, Wk, bk, q,
           W_out, b_out):
    f32 = jnp.float32
    att_s = att_src_p2a.astype(f32)
    att_d = att_dst_p2a.astype(f32)
    Wp_h = W_pat.reshape(D_IN, 4, 2, DH).transpose(0, 1, 3, 2).reshape(
        D_IN, HID)
    bp_h = b_pat.reshape(4, 2, DH).transpose(0, 2, 1).reshape(HID)
    Wa = jnp.einsum('rjd,jd->rj', W_pat.reshape(D_IN, HEADS, DH), att_s)
    Wa16 = jnp.concatenate([Wa, jnp.zeros((D_IN, 8), f32)], axis=1)
    blk4 = jnp.stack([Wa16, jnp.zeros((D_IN, 16), f32)], axis=-1).reshape(
        D_IN, 32)
    Wp = jnp.concatenate([Wp_h, blk4], axis=1)
    ba = (b_pat.reshape(HEADS, DH) * att_s).sum(-1)
    ba16 = jnp.concatenate([ba, jnp.zeros((8,), f32)])
    bp = jnp.concatenate(
        [bp_h, jnp.stack([ba16, jnp.zeros((16,), f32)], axis=-1).reshape(32)])
    Wd = jnp.einsum('rjd,jd->rj', W_adm.reshape(D_IN, HEADS, DH), att_d)
    Wd16 = jnp.concatenate([Wd, jnp.zeros((D_IN, 8), f32)], axis=1)
    bd = (b_adm.reshape(HEADS, DH) * att_d).sum(-1)
    bd16 = jnp.concatenate([bd, jnp.zeros((8,), f32)])

    tsrc = _tc_linear_pad(x_Patient, Wp, bp, TW, jnp.bfloat16, N_ACC)
    adst = _tc_linear_pad(x_Admission, Wd16, bd16, 16, f32, N_ACC)

    eidx = jnp.pad(ei_p2a.astype(jnp.int32), ((0, 0), (0, E_PAD - E_EDGE)),
                   constant_values=N_NODE).reshape(2, NW, NCHUNK, CHUNK)
    zero = jnp.zeros((N_ACC, ROWW), f32)

    acc = _edge_phase(tsrc, adst, eidx[0], eidx[1], zero)

    bden = (jnp.arange(ROWW)[:, None]
            == HID + jnp.arange(HID)[None, :] // DH).astype(f32)
    return _post_phase(acc, bden, W_out, b_out)

# --- scband reference (transcript-rebuilt; emitter-appended) ---
"""Pipeline reference for scband-han-37443524886887 (READ-ONLY COPY).

The authoritative reference and input builder live on the scoring server;
editing this copy changes nothing except your own understanding.
"""

import jax, jax.numpy as jnp
import numpy as np

N_ADM = 10000; N_PAT = 10000; E = 160000
D_IN = 128; HID = 128; HEADS = 8; DH = HID // HEADS; N_CLS = 16


def setup_inputs():
    ks = jax.random.split(jax.random.key(0), 20)
    s = 0.1
    inp = {}
    inp["x_Admission"] = jax.random.normal(ks[0], (N_ADM, D_IN), dtype=jnp.float32)
    inp["x_Patient"] = jax.random.normal(ks[1], (N_PAT, D_IN), dtype=jnp.float32)
    inp["ei_p2a"] = jax.random.randint(ks[2], (2, E), 0, N_PAT)
    inp["ei_a2p"] = jax.random.randint(ks[3], (2, E), 0, N_ADM)
    inp["W_adm"] = jax.random.normal(ks[4], (D_IN, HID), dtype=jnp.float32) * s
    inp["b_adm"] = jnp.zeros((HID,), jnp.float32)
    inp["W_pat"] = jax.random.normal(ks[5], (D_IN, HID), dtype=jnp.float32) * s
    inp["b_pat"] = jnp.zeros((HID,), jnp.float32)
    inp["att_src_p2a"] = jax.random.normal(ks[6], (HEADS, DH), dtype=jnp.float32) * s
    inp["att_dst_p2a"] = jax.random.normal(ks[7], (HEADS, DH), dtype=jnp.float32) * s
    inp["att_src_a2p"] = jax.random.normal(ks[8], (HEADS, DH), dtype=jnp.float32) * s
    inp["att_dst_a2p"] = jax.random.normal(ks[9], (HEADS, DH), dtype=jnp.float32) * s
    inp["Wk"] = jax.random.normal(ks[10], (HID, HID), dtype=jnp.float32) * s
    inp["bk"] = jnp.zeros((HID,), jnp.float32)
    inp["q"] = jax.random.normal(ks[11], (HID,), dtype=jnp.float32) * s
    inp["W_out"] = jax.random.normal(ks[12], (HID, N_CLS), dtype=jnp.float32) * s
    inp["b_out"] = jnp.zeros((N_CLS,), jnp.float32)
    return inp


def _edge_softmax(alpha, dst, n):
    m = jax.ops.segment_max(alpha, dst, num_segments=n)
    m = jnp.where(jnp.isfinite(m), m, 0.0)
    e = jnp.exp(alpha - m[dst])
    den = jax.ops.segment_sum(e, dst, num_segments=n)
    return e / (den[dst] + 1e-16)


def _conv(h_src, h_dst, src, dst, a_src, a_dst, n_dst):
    al = (h_src * a_src[None]).sum(-1)[src] + (h_dst * a_dst[None]).sum(-1)[dst]
    al = jax.nn.leaky_relu(al, negative_slope=0.2)
    al = _edge_softmax(al, dst, n_dst)
    out = jax.ops.segment_sum(h_src[src] * al[:, :, None], dst, num_segments=n_dst)
    return jax.nn.relu(out.reshape(n_dst, HID))


def _group(xs, q, Wk, bk):
    out = jnp.stack(xs)
    score = (q[None, :] * jnp.tanh(out @ Wk + bk).mean(axis=1)).sum(-1)
    attn = jax.nn.softmax(score)
    return (attn[:, None, None] * out).sum(0)


def reference(x_Admission, x_Patient, ei_p2a, ei_a2p, W_adm, b_adm, W_pat, b_pat,
              att_src_p2a, att_dst_p2a, att_src_a2p, att_dst_a2p, Wk, bk, q, W_out, b_out):
    h_adm = (x_Admission @ W_adm + b_adm).reshape(N_ADM, HEADS, DH)
    h_pat = (x_Patient @ W_pat + b_pat).reshape(N_PAT, HEADS, DH)
    out_adm = _conv(h_pat, h_adm, ei_p2a[0], ei_p2a[1], att_src_p2a, att_dst_p2a, N_ADM)
    out_pat = _conv(h_adm, h_pat, ei_a2p[0], ei_a2p[1], att_src_a2p, att_dst_a2p, N_PAT)
    g_adm = _group([out_adm], q, Wk, bk)
    _ = _group([out_pat], q, Wk, bk)
    y = g_adm @ W_out + b_out
    return jax.nn.softmax(y, axis=1)

if __name__ == "__main__":
    import jax
    _d = setup_inputs()
    print(jax.jit(kernel)(*tuple(_d.values())))

</pallas_src>

<mosaic_0001>
#map = affine_map<(d0, d1) -> (0, 0)>
#map1 = affine_map<(d0, d1) -> (0, 0, 0)>
module attributes {stable_mosaic.version = 14 : i64} {
  func.func @_edge_body(%arg0: i32, %arg1: i32, %arg2: memref<10016x160xbf16, #tpu.memory_space<hbm>>, %arg3: memref<10016x16xf32, #tpu.memory_space<hbm>>, %arg4: memref<32x46x112xi32, #tpu.memory_space<hbm>>, %arg5: memref<32x46x112xi32, #tpu.memory_space<hbm>>, %arg6: memref<10016x144xf32, #tpu.memory_space<hbm>>, %arg7: memref<2x10016x144xf32, #tpu.memory_space<hbm>>, %arg8: memref<2x112xi32, #tpu.memory_space<vmem>>, %arg9: memref<2x112xi32, #tpu.memory_space<vmem>>, %arg10: memref<112x160xbf16, #tpu.memory_space<vmem>>, %arg11: memref<112x160xbf16, #tpu.memory_space<vmem>>, %arg12: memref<112x16xf32, #tpu.memory_space<vmem>>, %arg13: memref<112x16xf32, #tpu.memory_space<vmem>>, %arg14: memref<112x144xf32, #tpu.memory_space<vmem>>, %arg15: memref<10016x144xf32, #tpu.memory_space<vmem_shared>>, %arg16: memref<!tpu.dma_semaphore, #tpu.memory_space<semaphore_mem>>, %arg17: memref<!tpu.dma_semaphore, #tpu.memory_space<semaphore_mem>>, %arg18: memref<!tpu.dma_semaphore, #tpu.memory_space<semaphore_mem>>, %arg19: memref<!tpu.dma_semaphore, #tpu.memory_space<semaphore_mem>>) attributes {dimension_semantics = [#tpu.dimension_semantics<core_parallel>, #tpu.dimension_semantics<subcore_parallel>], iteration_bounds = array<i64: 2, 16>, scalar_prefetch = 0 : i64, scratch_operands = 12 : i64, tpu.core_type = #tpu.core_type<sc_vector_subcore>, window_params = [{transform_indices = #map}, {transform_indices = #map}, {transform_indices = #map1}, {transform_indices = #map1}, {transform_indices = #map}, {transform_indices = #map1}]} {
    %mul3A = arith.constant 2 : i32
    %mul3A_0 = arith.muli %arg1, %mul3A : i32
    %add3A = arith.addi %mul3A_0, %arg0 : i32
    %dma_start3A = arith.constant 0 : i32
    %dma_start3A_1 = arith.constant 0 : i32
    %dma_start3A_2 = arith.constant 0 : i32
    %dma_start3A_3 = tpu.memref_slice %arg8[%dma_start3A_1, %dma_start3A_2] : memref<2x112xi32, #tpu.memory_space<vmem>> -> memref<1x112xi32, #tpu.memory_space<vmem>>
    %dma_start3A_4 = tpu.memref_squeeze %dma_start3A_3 : memref<1x112xi32, #tpu.memory_space<vmem>> -> memref<112xi32, #tpu.memory_space<vmem>>
    %dma_start3A_5 = arith.constant 0 : i32
    %dma_start3A_6 = tpu.memref_slice %arg4[%add3A, %dma_start3A, %dma_start3A_5] : memref<32x46x112xi32, #tpu.memory_space<hbm>> -> memref<1x1x112xi32, #tpu.memory_space<hbm>>
    %dma_start3A_7 = tpu.memref_squeeze %dma_start3A_6 : memref<1x1x112xi32, #tpu.memory_space<hbm>> -> memref<112xi32, #tpu.memory_space<hbm>>
    %dma_start3A_8 = arith.constant 0 : i32
    %dma_start3A_9 = tpu.memref_slice %arg8[%dma_start3A_1, %dma_start3A_8] : memref<2x112xi32, #tpu.memory_space<vmem>> -> memref<1x112xi32, #tpu.memory_space<vmem>>
    %dma_start3A_10 = tpu.memref_squeeze %dma_start3A_9 : memref<1x112xi32, #tpu.memory_space<vmem>> -> memref<112xi32, #tpu.memory_space<vmem>>
    %dma_start3A_11 = arith.constant 0 : i32
    %dma_start3A_12 = tpu.memref_slice %arg4[%add3A, %dma_start3A, %dma_start3A_11] : memref<32x46x112xi32, #tpu.memory_space<hbm>> -> memref<1x1x112xi32, #tpu.memory_space<hbm>>
    %dma_start3A_13 = tpu.memref_squeeze %dma_start3A_12 : memref<1x1x112xi32, #tpu.memory_space<hbm>> -> memref<112xi32, #tpu.memory_space<hbm>>
    tpu.enqueue_dma source(%dma_start3A_13 : memref<112xi32, #tpu.memory_space<hbm>>) target(%dma_start3A_10 : memref<112xi32, #tpu.memory_space<vmem>>) target_semaphore(%arg18 : memref<!tpu.dma_semaphore, #tpu.memory_space<semaphore_mem>>)
    %dma_start3A_14 = arith.constant 0 : i32
    %dma_start3A_15 = arith.constant 1 : i32
    %dma_start3A_16 = arith.constant 0 : i32
    %dma_start3A_17 = tpu.memref_slice %arg8[%dma_start3A_15, %dma_start3A_16] : memref<2x112xi32, #tpu.memory_space<vmem>> -> memref<1x112xi32, #tpu.memory_space<vmem>>
    %dma_start3A_18 = tpu.memref_squeeze %dma_start3A_17 : memref<1x112xi32, #tpu.memory_space<vmem>> -> memref<112xi32, #tpu.memory_space<vmem>>
    %dma_start3A_19 = arith.constant 0 : i32
    %dma_start3A_20 = tpu.memref_slice %arg5[%add3A, %dma_start3A_14, %dma_start3A_19] : memref<32x46x112xi32, #tpu.memory_space<hbm>> -> memref<1x1x112xi32, #tpu.memory_space<hbm>>
    %dma_start3A_21 = tpu.memref_squeeze %dma_start3A_20 : memref<1x1x112xi32, #tpu.memory_space<hbm>> -> memref<112xi32, #tpu.memory_space<hbm>>
    %dma_start3A_22 = arith.constant 0 : i32
    %dma_start3A_23 = tpu.memref_slice %arg8[%dma_start3A_15, %dma_start3A_22] : memref<2x112xi32, #tpu.memory_space<vmem>> -> memref<1x112xi32, #tpu.memory_space<vmem>>
    %dma_start3A_24 = tpu.memref_squeeze %dma_start3A_23 : memref<1x112xi32, #tpu.memory_space<vmem>> -> memref<112xi32, #tpu.memory_space<vmem>>
    %dma_start3A_25 = arith.constant 0 : i32
    %dma_start3A_26 = tpu.memref_slice %arg5[%add3A, %dma_start3A_14, %dma_start3A_25] : memref<32x46x112xi32, #tpu.memory_space<hbm>> -> memref<1x1x112xi32, #tpu.memory_space<hbm>>
    %dma_start3A_27 = tpu.memref_squeeze %dma_start3A_26 : memref<1x1x112xi32, #tpu.memory_space<hbm>> -> memref<112xi32, #tpu.memory_space<hbm>>
    tpu.enqueue_dma source(%dma_start3A_27 : memref<112xi32, #tpu.memory_space<hbm>>) target(%dma_start3A_24 : memref<112xi32, #tpu.memory_space<vmem>>) target_semaphore(%arg18 : memref<!tpu.dma_semaphore, #tpu.memory_space<semaphore_mem>>)
    %dma_start3A_28 = arith.constant 1 : i32
    %dma_start3A_29 = arith.constant 0 : i32
    %dma_start3A_30 = arith.constant 0 : i32
    %dma_start3A_31 = tpu.memref_slice %arg9[%dma_start3A_29, %dma_start3A_30] : memref<2x112xi32, #tpu.memory_space<vmem>> -> memref<1x112xi32, #tpu.memory_space<vmem>>
    %dma_start3A_32 = tpu.memref_squeeze %dma_start3A_31 : memref<1x112xi32, #tpu.memory_space<vmem>> -> memref<112xi32, #tpu.memory_space<vmem>>
    %dma_start3A_33 = arith.constant 0 : i32
    %dma_start3A_34 = tpu.memref_slice %arg4[%add3A, %dma_start3A_28, %dma_start3A_33] : memref<32x46x112xi32, #tpu.memory_space<hbm>> -> memref<1x1x112xi32, #tpu.memory_space<hbm>>
    %dma_start3A_35 = tpu.memref_squeeze %dma_start3A_34 : memref<1x1x112xi32, #tpu.memory_space<hbm>> -> memref<112xi32, #tpu.memory_space<hbm>>
    %dma_start3A_36 = arith.constant 0 : i32
    %dma_start3A_37 = tpu.memref_slice %arg9[%dma_start3A_29, %dma_start3A_36] : memref<2x112xi32, #tpu.memory_space<vmem>> -> memref<1x112xi32, #tpu.memory_space<vmem>>
    %dma_start3A_38 = tpu.memref_squeeze %dma_start3A_37 : memref<1x112xi32, #tpu.memory_space<vmem>> -> memref<112xi32, #tpu.memory_space<vmem>>
    %dma_start3A_39 = arith.constant 0 : i32
    %dma_start3A_40 = tpu.memref_slice %arg4[%add3A, %dma_start3A_28, %dma_start3A_39] : memref<32x46x112xi32, #tpu.memory_space<hbm>> -> memref<1x1x112xi32, #tpu.memory_space<hbm>>
    %dma_start3A_41 = tpu.memref_squeeze %dma_start3A_40 : memref<1x1x112xi32, #tpu.memory_space<hbm>> -> memref<112xi32, #tpu.memory_space<hbm>>
    tpu.enqueue_dma source(%dma_start3A_41 : memref<112xi32, #tpu.memory_space<hbm>>) target(%dma_start3A_38 : memref<112xi32, #tpu.memory_space<vmem>>) target_semaphore(%arg19 : memref<!tpu.dma_semaphore, #tpu.memory_space<semaphore_mem>>)
    %dma_start3A_42 = arith.constant 1 : i32
    %dma_start3A_43 = arith.constant 1 : i32
    %dma_start3A_44 = arith.constant 0 : i32
    %dma_start3A_45 = tpu.memref_slice %arg9[%dma_start3A_43, %dma_start3A_44] : memref<2x112xi32, #tpu.memory_space<vmem>> -> memref<1x112xi32, #tpu.memory_space<vmem>>
    %dma_start3A_46 = tpu.memref_squeeze %dma_start3A_45 : memref<1x112xi32, #tpu.memory_space<vmem>> -> memref<112xi32, #tpu.memory_space<vmem>>
    %dma_start3A_47 = arith.constant 0 : i32
    %dma_start3A_48 = tpu.memref_slice %arg5[%add3A, %dma_start3A_42, %dma_start3A_47] : memref<32x46x112xi32, #tpu.memory_space<hbm>> -> memref<1x1x112xi32, #tpu.memory_space<hbm>>
    %dma_start3A_49 = tpu.memref_squeeze %dma_start3A_48 : memref<1x1x112xi32, #tpu.memory_space<hbm>> -> memref<112xi32, #tpu.memory_space<hbm>>
    %dma_start3A_50 = arith.constant 0 : i32
    %dma_start3A_51 = tpu.memref_slice %arg9[%dma_start3A_43, %dma_start3A_50] : memref<2x112xi32, #tpu.memory_space<vmem>> -> memref<1x112xi32, #tpu.memory_space<vmem>>
    %dma_start3A_52 = tpu.memref_squeeze %dma_start3A_51 : memref<1x112xi32, #tpu.memory_space<vmem>> -> memref<112xi32, #tpu.memory_space<vmem>>
    %dma_start3A_53 = arith.constant 0 : i32
    %dma_start3A_54 = tpu.memref_slice %arg5[%add3A, %dma_start3A_42, %dma_start3A_53] : memref<32x46x112xi32, #tpu.memory_space<hbm>> -> memref<1x1x112xi32, #tpu.memory_space<hbm>>
    %dma_start3A_55 = tpu.memref_squeeze %dma_start3A_54 : memref<1x1x112xi32, #tpu.memory_space<hbm>> -> memref<112xi32, #tpu.memory_space<hbm>>
    tpu.enqueue_dma source(%dma_start3A_55 : memref<112xi32, #tpu.memory_space<hbm>>) target(%dma_start3A_52 : memref<112xi32, #tpu.memory_space<vmem>>) target_semaphore(%arg19 : memref<!tpu.dma_semaphore, #tpu.memory_space<semaphore_mem>>)
    %dma_wait3A = arith.constant 0 : i32
    %dma_wait3A_56 = arith.constant 0 : i32
    %dma_wait3A_57 = arith.constant 0 : i32
    %dma_wait3A_58 = arith.constant 0 : i32
    %dma_wait3A_59 = tpu.memref_slice %arg8[%dma_wait3A_57, %dma_wait3A_58] : memref<2x112xi32, #tpu.memory_space<vmem>> -> memref<1x112xi32, #tpu.memory_space<vmem>>
    %dma_wait3A_60 = tpu.memref_squeeze %dma_wait3A_59 : memref<1x112xi32, #tpu.memory_space<vmem>> -> memref<112xi32, #tpu.memory_space<vmem>>
    %dma_wait3A_61 = arith.constant 0 : i32
    %dma_wait3A_62 = tpu.memref_slice %arg4[%dma_wait3A, %dma_wait3A_56, %dma_wait3A_61] : memref<32x46x112xi32, #tpu.memory_space<hbm>> -> memref<1x1x112xi32, #tpu.memory_space<hbm>>
    %dma_wait3A_63 = tpu.memref_squeeze %dma_wait3A_62 : memref<1x1x112xi32, #tpu.memory_space<hbm>> -> memref<112xi32, #tpu.memory_space<hbm>>
    %dma_wait3A_64 = arith.constant 0 : i32
    %dma_wait3A_65 = tpu.memref_slice %arg8[%dma_wait3A_57, %dma_wait3A_64] : memref<2x112xi32, #tpu.memory_space<vmem>> -> memref<1x112xi32, #tpu.memory_space<vmem>>
    %dma_wait3A_66 = tpu.memref_squeeze %dma_wait3A_65 : memref<1x112xi32, #tpu.memory_space<vmem>> -> memref<112xi32, #tpu.memory_space<vmem>>
    %dma_wait3A_67 = arith.constant 0 : i32
    %dma_wait3A_68 = tpu.memref_slice %arg4[%dma_wait3A, %dma_wait3A_56, %dma_wait3A_67] : memref<32x46x112xi32, #tpu.memory_space<hbm>> -> memref<1x1x112xi32, #tpu.memory_space<hbm>>
    %dma_wait3A_69 = tpu.memref_squeeze %dma_wait3A_68 : memref<1x1x112xi32, #tpu.memory_space<hbm>> -> memref<112xi32, #tpu.memory_space<hbm>>
    tpu.wait_dma2 semaphore(%arg18 : memref<!tpu.dma_semaphore, #tpu.memory_space<semaphore_mem>>) src(%dma_wait3A_69 : memref<112xi32, #tpu.memory_space<hbm>>) dst(%dma_wait3A_66 : memref<112xi32, #tpu.memory_space<vmem>>)
    %dma_wait3A_70 = arith.constant 0 : i32
    %dma_wait3A_71 = arith.constant 0 : i32
    %dma_wait3A_72 = arith.constant 1 : i32
    %dma_wait3A_73 = arith.constant 0 : i32
    %dma_wait3A_74 = tpu.memref_slice %arg8[%dma_wait3A_72, %dma_wait3A_73] : memref<2x112xi32, #tpu.memory_space<vmem>> -> memref<1x112xi32, #tpu.memory_space<vmem>>
    %dma_wait3A_75 = tpu.memref_squeeze %dma_wait3A_74 : memref<1x112xi32, #tpu.memory_space<vmem>> -> memref<112xi32, #tpu.memory_space<vmem>>
    %dma_wait3A_76 = arith.constant 0 : i32
    %dma_wait3A_77 = tpu.memref_slice %arg5[%dma_wait3A_70, %dma_wait3A_71, %dma_wait3A_76] : memref<32x46x112xi32, #tpu.memory_space<hbm>> -> memref<1x1x112xi32, #tpu.memory_space<hbm>>
    %dma_wait3A_78 = tpu.memref_squeeze %dma_wait3A_77 : memref<1x1x112xi32, #tpu.memory_space<hbm>> -> memref<112xi32, #tpu.memory_space<hbm>>
    %dma_wait3A_79 = arith.constant 0 : i32
    %dma_wait3A_80 = tpu.memref_slice %arg8[%dma_wait3A_72, %dma_wait3A_79] : memref<2x112xi32, #tpu.memory_space<vmem>> -> memref<1x112xi32, #tpu.memory_space<vmem>>
    %dma_wait3A_81 = tpu.memref_squeeze %dma_wait3A_80 : memref<1x112xi32, #tpu.memory_space<vmem>> -> memref<112xi32, #tpu.memory_space<vmem>>
    %dma_wait3A_82 = arith.constant 0 : i32
    %dma_wait3A_83 = tpu.memref_slice %arg5[%dma_wait3A_70, %dma_wait3A_71, %dma_wait3A_82] : memref<32x46x112xi32, #tpu.memory_space<hbm>> -> memref<1x1x112xi32, #tpu.memory_space<hbm>>
    %dma_wait3A_84 = tpu.memref_squeeze %dma_wait3A_83 : memref<1x1x112xi32, #tpu.memory_space<hbm>> -> memref<112xi32, #tpu.memory_space<hbm>>
    tpu.wait_dma2 semaphore(%arg18 : memref<!tpu.dma_semaphore, #tpu.memory_space<semaphore_mem>>) src(%dma_wait3A_84 : memref<112xi32, #tpu.memory_space<hbm>>) dst(%dma_wait3A_81 : memref<112xi32, #tpu.memory_space<vmem>>)
    %dma_start3A_85 = arith.constant 0 : i32
    %dma_start3A_86 = arith.constant 0 : i32
    %dma_start3A_87 = tpu.memref_slice %arg8[%dma_start3A_85, %dma_start3A_86] : memref<2x112xi32, #tpu.memory_space<vmem>> -> memref<1x112xi32, #tpu.memory_space<vmem>>
    %dma_start3A_88 = tpu.memref_squeeze %dma_start3A_87 : memref<1x112xi32, #tpu.memory_space<vmem>> -> memref<112xi32, #tpu.memory_space<vmem>>
    %dma_start3A_89 = arith.constant 0 : i32
    %dma_start3A_90 = arith.constant 0 : i32
    %dma_start3A_91 = tpu.memref_slice %arg2[%dma_start3A_89, %dma_start3A_90] : memref<10016x160xbf16, #tpu.memory_space<hbm>> -> memref<10016x160xbf16, #tpu.memory_space<hbm>>
    tpu.enqueue_indirect_dma source(%dma_start3A_91 : memref<10016x160xbf16, #tpu.memory_space<hbm>>) target(%arg10 : memref<112x160xbf16, #tpu.memory_space<vmem>>) offsets(%dma_start3A_88 : memref<112xi32, #tpu.memory_space<vmem>>) semaphore(%arg16 : memref<!tpu.dma_semaphore, #tpu.memory_space<semaphore_mem>>)
    %dma_start3A_92 = arith.constant 1 : i32
    %dma_start3A_93 = arith.constant 0 : i32
    %dma_start3A_94 = tpu.memref_slice %arg8[%dma_start3A_92, %dma_start3A_93] : memref<2x112xi32, #tpu.memory_space<vmem>> -> memref<1x112xi32, #tpu.memory_space<vmem>>
    %dma_start3A_95 = tpu.memref_squeeze %dma_start3A_94 : memref<1x112xi32, #tpu.memory_space<vmem>> -> memref<112xi32, #tpu.memory_space<vmem>>
    %dma_start3A_96 = arith.constant 0 : i32
    %dma_start3A_97 = arith.constant 0 : i32
    %dma_start3A_98 = tpu.memref_slice %arg3[%dma_start3A_96, %dma_start3A_97] : memref<10016x16xf32, #tpu.memory_space<hbm>> -> memref<10016x16xf32, #tpu.memory_space<hbm>>
    tpu.enqueue_indirect_dma source(%dma_start3A_98 : memref<10016x16xf32, #tpu.memory_space<hbm>>) target(%arg12 : memref<112x16xf32, #tpu.memory_space<vmem>>) offsets(%dma_start3A_95 : memref<112xi32, #tpu.memory_space<vmem>>) semaphore(%arg16 : memref<!tpu.dma_semaphore, #tpu.memory_space<semaphore_mem>>)
    %mul3A_99 = arith.constant 626 : i32
    %mul3A_100 = arith.muli %arg1, %mul3A_99 : i32
    %mul3A_101 = arith.constant 626 : i32
    %mul3A_102 = arith.muli %arg1, %mul3A_101 : i32
    "tpu.region"() ({
      %run_scoped3A = tpu.sem_alloc : memref<!tpu.dma_semaphore, #tpu.memory_space<semaphore_mem>>
      %dma_start3A_115 = arith.constant 0 : i32
      %dma_start3A_116 = tpu.memref_slice %arg15[%mul3A_102, %dma_start3A_115] : memref<10016x144xf32, #tpu.memory_space<vmem_shared>> -> memref<626x144xf32, #tpu.memory_space<vmem_shared>>
      %dma_start3A_117 = arith.constant 0 : i32
      %dma_start3A_118 = tpu.memref_slice %arg6[%mul3A_100, %dma_start3A_117] : memref<10016x144xf32, #tpu.memory_space<hbm>> -> memref<626x144xf32, #tpu.memory_space<hbm>>
      tpu.enqueue_dma source(%dma_start3A_118 : memref<626x144xf32, #tpu.memory_space<hbm>>) target(%dma_start3A_116 : memref<626x144xf32, #tpu.memory_space<vmem_shared>>) target_semaphore(%run_scoped3A : memref<!tpu.dma_semaphore, #tpu.memory_space<semaphore_mem>>)
      %dma_wait3A_119 = arith.constant 0 : i32
      %dma_wait3A_120 = tpu.memref_slice %arg15[%mul3A_102, %dma_wait3A_119] : memref<10016x144xf32, #tpu.memory_space<vmem_shared>> -> memref<626x144xf32, #tpu.memory_space<vmem_shared>>
      %dma_wait3A_121 = arith.constant 0 : i32
      %dma_wait3A_122 = tpu.memref_slice %arg6[%mul3A_100, %dma_wait3A_121] : memref<10016x144xf32, #tpu.memory_space<hbm>> -> memref<626x144xf32, #tpu.memory_space<hbm>>
      tpu.wait_dma2 semaphore(%run_scoped3A : memref<!tpu.dma_semaphore, #tpu.memory_space<semaphore_mem>>) src(%dma_wait3A_122 : memref<626x144xf32, #tpu.memory_space<hbm>>) dst(%dma_wait3A_120 : memref<626x144xf32, #tpu.memory_space<vmem_shared>>)
      tpu.yield
    }) : () -> ()
    %barrier3A = arith.constant 0 : index
    tpu.barrier barrier_id(%barrier3A)
    %scan3A = arith.constant -65536 : i32
    %scan3A_103 = arith.constant 0 : i32
    %scan3A_104 = arith.constant 0 : i32
    %scan3A_105 = arith.constant 23 : i32
    %scan3A_106 = arith.addi %scan3A_104, %scan3A_105 : i32
    %scan3A_107 = arith.constant 1 : i32
    %scan3A_108 = scf.for %scan3A_115 = %scan3A_104 to %scan3A_106 step %scan3A_107 iter_args(%scan3A_116 = %scan3A_103) -> (i32)  : i32 {
      %mul3A_117 = arith.constant 2 : i32
      %mul3A_118 = arith.muli %mul3A_117, %scan3A_115 : i32
      %dma_wait3A_119 = arith.constant 0 : i32
      %dma_wait3A_120 = arith.constant 0 : i32
      %dma_wait3A_121 = arith.constant 0 : i32
      %dma_wait3A_122 = arith.constant 0 : i32
      %dma_wait3A_123 = tpu.memref_slice %arg9[%dma_wait3A_121, %dma_wait3A_122] : memref<2x112xi32, #tpu.memory_space<vmem>> -> memref<1x112xi32, #tpu.memory_space<vmem>>
      %dma_wait3A_124 = tpu.memref_squeeze %dma_wait3A_123 : memref<1x112xi32, #tpu.memory_space<vmem>> -> memref<112xi32, #tpu.memory_space<vmem>>
      %dma_wait3A_125 = arith.constant 0 : i32
      %dma_wait3A_126 = tpu.memref_slice %arg4[%dma_wait3A_119, %dma_wait3A_120, %dma_wait3A_125] : memref<32x46x112xi32, #tpu.memory_space<hbm>> -> memref<1x1x112xi32, #tpu.memory_space<hbm>>
      %dma_wait3A_127 = tpu.memref_squeeze %dma_wait3A_126 : memref<1x1x112xi32, #tpu.memory_space<hbm>> -> memref<112xi32, #tpu.memory_space<hbm>>
      %dma_wait3A_128 = arith.constant 0 : i32
      %dma_wait3A_129 = tpu.memref_slice %arg9[%dma_wait3A_121, %dma_wait3A_128] : memref<2x112xi32, #tpu.memory_space<vmem>> -> memref<1x112xi32, #tpu.memory_space<vmem>>
      %dma_wait3A_130 = tpu.memref_squeeze %dma_wait3A_129 : memref<1x112xi32, #tpu.memory_space<vmem>> -> memref<112xi32, #tpu.memory_space<vmem>>
      %dma_wait3A_131 = arith.constant 0 : i32
      %dma_wait3A_132 = tpu.memref_slice %arg4[%dma_wait3A_119, %dma_wait3A_120, %dma_wait3A_131] : memref<32x46x112xi32, #tpu.memory_space<hbm>> -> memref<1x1x112xi32, #tpu.memory_space<hbm>>
      %dma_wait3A_133 = tpu.memref_squeeze %dma_wait3A_132 : memref<1x1x112xi32, #tpu.memory_space<hbm>> -> memref<112xi32, #tpu.memory_space<hbm>>
      tpu.wait_dma2 semaphore(%arg19 : memref<!tpu.dma_semaphore, #tpu.memory_space<semaphore_mem>>) src(%dma_wait3A_133 : memref<112xi32, #tpu.memory_space<hbm>>) dst(%dma_wait3A_130 : memref<112xi32, #tpu.memory_space<vmem>>)
      %dma_wait3A_134 = arith.constant 0 : i32
      %dma_wait3A_135 = arith.constant 0 : i32
      %dma_wait3A_136 = arith.constant 1 : i32
      %dma_wait3A_137 = arith.constant 0 : i32
      %dma_wait3A_138 = tpu.memref_slice %arg9[%dma_wait3A_136, %dma_wait3A_137] : memref<2x112xi32, #tpu.memory_space<vmem>> -> memref<1x112xi32, #tpu.memory_space<vmem>>
      %dma_wait3A_139 = tpu.memref_squeeze %dma_wait3A_138 : memref<1x112xi32, #tpu.memory_space<vmem>> -> memref<112xi32, #tpu.memory_space<vmem>>
      %dma_wait3A_140 = arith.constant 0 : i32
      %dma_wait3A_141 = tpu.memref_slice %arg5[%dma_wait3A_134, %dma_wait3A_135, %dma_wait3A_140] : memref<32x46x112xi32, #tpu.memory_space<hbm>> -> memref<1x1x112xi32, #tpu.memory_space<hbm>>
      %dma_wait3A_142 = tpu.memref_squeeze %dma_wait3A_141 : memref<1x1x112xi32, #tpu.memory_space<hbm>> -> memref<112xi32, #tpu.memory_space<hbm>>
      %dma_wait3A_143 = arith.constant 0 : i32
      %dma_wait3A_144 = tpu.memref_slice %arg9[%dma_wait3A_136, %dma_wait3A_143] : memref<2x112xi32, #tpu.memory_space<vmem>> -> memref<1x112xi32, #tpu.memory_space<vmem>>
      %dma_wait3A_145 = tpu.memref_squeeze %dma_wait3A_144 : memref<1x112xi32, #tpu.memory_space<vmem>> -> memref<112xi32, #tpu.memory_space<vmem>>
      %dma_wait3A_146 = arith.constant 0 : i32
      %dma_wait3A_147 = tpu.memref_slice %arg5[%dma_wait3A_134, %dma_wait3A_135, %dma_wait3A_146] : memref<32x46x112xi32, #tpu.memory_space<hbm>> -> memref<1x1x112xi32, #tpu.memory_space<hbm>>
      %dma_wait3A_148 = tpu.memref_squeeze %dma_wait3A_147 : memref<1x1x112xi32, #tpu.memory_space<hbm>> -> memref<112xi32, #tpu.memory_space<hbm>>
      tpu.wait_dma2 semaphore(%arg19 : memref<!tpu.dma_semaphore, #tpu.memory_space<semaphore_mem>>) src(%dma_wait3A_148 : memref<112xi32, #tpu.memory_space<hbm>>) dst(%dma_wait3A_145 : memref<112xi32, #tpu.memory_space<vmem>>)
      %dma_start3A_149 = arith.constant 0 : i32
      %dma_start3A_150 = arith.constant 0 : i32
      %dma_start3A_151 = tpu.memref_slice %arg9[%dma_start3A_149, %dma_start3A_150] : memref<2x112xi32, #tpu.memory_space<vmem>> -> memref<1x112xi32, #tpu.memory_space<vmem>>
      %dma_start3A_152 = tpu.memref_squeeze %dma_start3A_151 : memref<1x112xi32, #tpu.memory_space<vmem>> -> memref<112xi32, #tpu.memory_space<vmem>>
      %dma_start3A_153 = arith.constant 0 : i32
      %dma_start3A_154 = arith.constant 0 : i32
      %dma_start3A_155 = tpu.memref_slice %arg2[%dma_start3A_153, %dma_start3A_154] : memref<10016x160xbf16, #tpu.memory_space<hbm>> -> memref<10016x160xbf16, #tpu.memory_space<hbm>>
      tpu.enqueue_indirect_dma source(%dma_start3A_155 : memref<10016x160xbf16, #tpu.memory_space<hbm>>) target(%arg11 : memref<112x160xbf16, #tpu.memory_space<vmem>>) offsets(%dma_start3A_152 : memref<112xi32, #tpu.memory_space<vmem>>) semaphore(%arg17 : memref<!tpu.dma_semaphore, #tpu.memory_space<semaphore_mem>>)
      %dma_start3A_156 = arith.constant 1 : i32
      %dma_start3A_157 = arith.constant 0 : i32
      %dma_start3A_158 = tpu.memref_slice %arg9[%dma_start3A_156, %dma_start3A_157] : memref<2x112xi32, #tpu.memory_space<vmem>> -> memref<1x112xi32, #tpu.memory_space<vmem>>
      %dma_start3A_159 = tpu.memref_squeeze %dma_start3A_158 : memref<1x112xi32, #tpu.memory_space<vmem>> -> memref<112xi32, #tpu.memory_space<vmem>>
      %dma_start3A_160 = arith.constant 0 : i32
      %dma_start3A_161 = arith.constant 0 : i32
      %dma_start3A_162 = tpu.memref_slice %arg3[%dma_start3A_160, %dma_start3A_161] : memref<10016x16xf32, #tpu.memory_space<hbm>> -> memref<10016x16xf32, #tpu.memory_space<hbm>>
      tpu.enqueue_indirect_dma source(%dma_start3A_162 : memref<10016x16xf32, #tpu.memory_space<hbm>>) target(%arg13 : memref<112x16xf32, #tpu.memory_space<vmem>>) offsets(%dma_start3A_159 : memref<112xi32, #tpu.memory_space<vmem>>) semaphore(%arg17 : memref<!tpu.dma_semaphore, #tpu.memory_space<semaphore_mem>>)
      %dma_wait3A_163 = arith.constant 0 : i32
      %dma_wait3A_164 = arith.constant 0 : i32
      %dma_wait3A_165 = tpu.memref_slice %arg2[%dma_wait3A_163, %dma_wait3A_164] : memref<10016x160xbf16, #tpu.memory_space<hbm>> -> memref<112x160xbf16, #tpu.memory_space<hbm>>
      %dma_wait3A_166 = arith.constant 0 : i32
      %dma_wait3A_167 = arith.constant 0 : i32
      %dma_wait3A_168 = tpu.memref_slice %arg2[%dma_wait3A_166, %dma_wait3A_167] : memref<10016x160xbf16, #tpu.memory_space<hbm>> -> memref<112x160xbf16, #tpu.memory_space<hbm>>
      tpu.wait_dma2 semaphore(%arg16 : memref<!tpu.dma_semaphore, #tpu.memory_space<semaphore_mem>>) src(%dma_wait3A_168 : memref<112x160xbf16, #tpu.memory_space<hbm>>) dst(%arg10 : memref<112x160xbf16, #tpu.memory_space<vmem>>)
      %dma_wait3A_169 = arith.constant 0 : i32
      %dma_wait3A_170 = arith.constant 0 : i32
      %dma_wait3A_171 = tpu.memref_slice %arg3[%dma_wait3A_169, %dma_wait3A_170] : memref<10016x16xf32, #tpu.memory_space<hbm>> -> memref<112x16xf32, #tpu.memory_space<hbm>>
      %dma_wait3A_172 = arith.constant 0 : i32
      %dma_wait3A_173 = arith.constant 0 : i32
      %dma_wait3A_174 = tpu.memref_slice %arg3[%dma_wait3A_172, %dma_wait3A_173] : memref<10016x16xf32, #tpu.memory_space<hbm>> -> memref<112x16xf32, #tpu.memory_space<hbm>>
      tpu.wait_dma2 semaphore(%arg16 : memref<!tpu.dma_semaphore, #tpu.memory_space<semaphore_mem>>) src(%dma_wait3A_174 : memref<112x16xf32, #tpu.memory_space<hbm>>) dst(%arg12 : memref<112x16xf32, #tpu.memory_space<vmem>>)
      %parallel_loop3A = arith.constant 0 : i32
      %parallel_loop3A_175 = arith.constant 112 : i32
      %parallel_loop3A_176 = arith.constant 1 : i32
      scf.for %parallel_loop3A_201 = %parallel_loop3A to %parallel_loop3A_175 step %parallel_loop3A_176  : i32 {
        %parallel_loop3A_202 = arith.index_cast %parallel_loop3A_201 : i32 to index
        %parallel_loop3A_203 = arith.constant 128 : index
        %parallel_loop3A_204 = tpu.vector_load %arg10[%parallel_loop3A_202, %parallel_loop3A_203] {strides = array<i32>} : memref<112x160xbf16, #tpu.memory_space<vmem>>, vector<32xbf16>,
        %parallel_loop3A_205 = vector.bitcast %parallel_loop3A_204 : vector<32xbf16> to vector<16xi32>
        %parallel_loop3A_206 = arith.constant 16 : i32
        %parallel_loop3A_207 = vector.broadcast %parallel_loop3A_206 : i32 to vector<16xi32>
        %parallel_loop3A_208 = arith.shli %parallel_loop3A_205, %parallel_loop3A_207 : vector<16xi32>
        %parallel_loop3A_209 = vector.bitcast %parallel_loop3A_208 : vector<16xi32> to vector<16xf32>
        %parallel_loop3A_210 = arith.index_cast %parallel_loop3A_201 : i32 to index
        %parallel_loop3A_211 = arith.constant 0 : index
        %parallel_loop3A_212 = tpu.vector_load %arg12[%parallel_loop3A_210, %parallel_loop3A_211] {strides = array<i32>} : memref<112x16xf32, #tpu.memory_space<vmem>>, vector<16xf32>,
        %parallel_loop3A_213 = arith.addf %parallel_loop3A_209, %parallel_loop3A_212 : vector<16xf32>
        %parallel_loop3A_214 = arith.constant 0.000000e+00 : f32
        %parallel_loop3A_215 = vector.broadcast %parallel_loop3A_214 : f32 to vector<16xf32>
        %parallel_loop3A_216 = arith.cmpf oge, %parallel_loop3A_213, %parallel_loop3A_215 : vector<16xf32>
        %parallel_loop3A_217 = arith.constant 2.000000e-01 : f32
        %parallel_loop3A_218 = vector.broadcast %parallel_loop3A_217 : f32 to vector<16xf32>
        %parallel_loop3A_219 = arith.mulf %parallel_loop3A_213, %parallel_loop3A_218 : vector<16xf32>
        %parallel_loop3A_220 = arith.select %parallel_loop3A_216, %parallel_loop3A_213, %parallel_loop3A_219 : vector<16xi1>, vector<16xf32>
        %parallel_loop3A_221 = math.exp %parallel_loop3A_220 : vector<16xf32>
        %parallel_loop3A_222 = arith.index_cast %parallel_loop3A_201 : i32 to index
        %parallel_loop3A_223 = arith.constant 128 : index
        %parallel_loop3A_224 = tpu.vector_load %arg14[%parallel_loop3A_222, %parallel_loop3A_223] {strides = array<i32>} : memref<112x144xf32, #tpu.memory_space<vmem>>, vector<16xf32>,
        tpu.vector_store %arg14[%parallel_loop3A_222, %parallel_loop3A_223], %parallel_loop3A_221 {strides = array<i32>} : memref<112x144xf32, #tpu.memory_space<vmem>>, vector<16xf32>,
        %parallel_loop3A_225 = arith.index_cast %parallel_loop3A_201 : i32 to index
        %parallel_loop3A_226 = arith.constant 0 : index
        %parallel_loop3A_227 = tpu.vector_load %arg10[%parallel_loop3A_225, %parallel_loop3A_226] {strides = array<i32>} : memref<112x160xbf16, #tpu.memory_space<vmem>>, vector<32xbf16>,
        %parallel_loop3A_228 = vector.bitcast %parallel_loop3A_227 : vector<32xbf16> to vector<16xi32>
        %parallel_loop3A_229 = arith.constant 16 : i32
        %parallel_loop3A_230 = vector.broadcast %parallel_loop3A_229 : i32 to vector<16xi32>
        %parallel_loop3A_231 = arith.shli %parallel_loop3A_228, %parallel_loop3A_230 : vector<16xi32>
        %parallel_loop3A_232 = vector.bitcast %parallel_loop3A_231 : vector<16xi32> to vector<16xf32>
        %parallel_loop3A_233 = vector.broadcast %scan3A : i32 to vector<16xi32>
        %parallel_loop3A_234 = arith.andi %parallel_loop3A_228, %parallel_loop3A_233 : vector<16xi32>
        %parallel_loop3A_235 = vector.bitcast %parallel_loop3A_234 : vector<16xi32> to vector<16xf32>
        %parallel_loop3A_236 = vector.extract_strided_slice %parallel_loop3A_221 {offsets = [0], sizes = [1], strides = [1]} : vector<16xf32> to vector<1xf32>
        %parallel_loop3A_237 = vector.extract %parallel_loop3A_236[0] : f32 from vector<1xf32>
        %parallel_loop3A_238 = vector.broadcast %parallel_loop3A_237 : f32 to vector<16xf32>
        %parallel_loop3A_239 = arith.mulf %parallel_loop3A_232, %parallel_loop3A_238 : vector<16xf32>
        %parallel_loop3A_240 = arith.index_cast %parallel_loop3A_201 : i32 to index
        %parallel_loop3A_241 = arith.constant 0 : index
        %parallel_loop3A_242 = tpu.vector_load %arg14[%parallel_loop3A_240, %parallel_loop3A_241] {strides = array<i32>} : memref<112x144xf32, #tpu.memory_space<vmem>>, vector<16xf32>,
        tpu.vector_store %arg14[%parallel_loop3A_240, %parallel_loop3A_241], %parallel_loop3A_239 {strides = array<i32>} : memref<112x144xf32, #tpu.memory_space<vmem>>, vector<16xf32>,
        %parallel_loop3A_243 = vector.extract_strided_slice %parallel_loop3A_221 {offsets = [1], sizes = [1], strides = [1]} : vector<16xf32> to vector<1xf32>
        %parallel_loop3A_244 = vector.extract %parallel_loop3A_243[0] : f32 from vector<1xf32>
        %parallel_loop3A_245 = vector.broadcast %parallel_loop3A_244 : f32 to vector<16xf32>
        %parallel_loop3A_246 = arith.mulf %parallel_loop3A_235, %parallel_loop3A_245 : vector<16xf32>
        %parallel_loop3A_247 = arith.index_cast %parallel_loop3A_201 : i32 to index
        %parallel_loop3A_248 = arith.constant 16 : index
        %parallel_loop3A_249 = tpu.vector_load %arg14[%parallel_loop3A_247, %parallel_loop3A_248] {strides = array<i32>} : memref<112x144xf32, #tpu.memory_space<vmem>>, vector<16xf32>,
        tpu.vector_store %arg14[%parallel_loop3A_247, %parallel_loop3A_248], %parallel_loop3A_246 {strides = array<i32>} : memref<112x144xf32, #tpu.memory_space<vmem>>, vector<16xf32>,
        %parallel_loop3A_250 = arith.index_cast %parallel_loop3A_201 : i32 to index
        %parallel_loop3A_251 = arith.constant 32 : index
        %parallel_loop3A_252 = tpu.vector_load %arg10[%parallel_loop3A_250, %parallel_loop3A_251] {strides = array<i32>} : memref<112x160xbf16, #tpu.memory_space<vmem>>, vector<32xbf16>,
        %parallel_loop3A_253 = vector.bitcast %parallel_loop3A_252 : vector<32xbf16> to vector<16xi32>
        %parallel_loop3A_254 = arith.constant 16 : i32
        %parallel_loop3A_255 = vector.broadcast %parallel_loop3A_254 : i32 to vector<16xi32>
        %parallel_loop3A_256 = arith.shli %parallel_loop3A_253, %parallel_loop3A_255 : vector<16xi32>
        %parallel_loop3A_257 = vector.bitcast %parallel_loop3A_256 : vector<16xi32> to vector<16xf32>
        %parallel_loop3A_258 = vector.broadcast %scan3A : i32 to vector<16xi32>
        %parallel_loop3A_259 = arith.andi %parallel_loop3A_253, %parallel_loop3A_258 : vector<16xi32>
        %parallel_loop3A_260 = vector.bitcast %parallel_loop3A_259 : vector<16xi32> to vector<16xf32>
        %parallel_loop3A_261 = vector.extract_strided_slice %parallel_loop3A_221 {offsets = [2], sizes = [1], strides = [1]} : vector<16xf32> to vector<1xf32>
        %parallel_loop3A_262 = vector.extract %parallel_loop3A_261[0] : f32 from vector<1xf32>
        %parallel_loop3A_263 = vector.broadcast %parallel_loop3A_262 : f32 to vector<16xf32>
        %parallel_loop3A_264 = arith.mulf %parallel_loop3A_257, %parallel_loop3A_263 : vector<16xf32>
        %parallel_loop3A_265 = arith.index_cast %parallel_loop3A_201 : i32 to index
        %parallel_loop3A_266 = arith.constant 32 : index
        %parallel_loop3A_267 = tpu.vector_load %arg14[%parallel_loop3A_265, %parallel_loop3A_266] {strides = array<i32>} : memref<112x144xf32, #tpu.memory_space<vmem>>, vector<16xf32>,
        tpu.vector_store %arg14[%parallel_loop3A_265, %parallel_loop3A_266], %parallel_loop3A_264 {strides = array<i32>} : memref<112x144xf32, #tpu.memory_space<vmem>>, vector<16xf32>,
        %parallel_loop3A_268 = vector.extract_strided_slice %parallel_loop3A_221 {offsets = [3], sizes = [1], strides = [1]} : vector<16xf32> to vector<1xf32>
        %parallel_loop3A_269 = vector.extract %parallel_loop3A_268[0] : f32 from vector<1xf32>
        %parallel_loop3A_270 = vector.broadcast %parallel_loop3A_269 : f32 to vector<16xf32>
        %parallel_loop3A_271 = arith.mulf %parallel_loop3A_260, %parallel_loop3A_270 : vector<16xf32>
        %parallel_loop3A_272 = arith.index_cast %parallel_loop3A_201 : i32 to index
        %parallel_loop3A_273 = arith.constant 48 : index
        %parallel_loop3A_274 = tpu.vector_load %arg14[%parallel_loop3A_272, %parallel_loop3A_273] {strides = array<i32>} : memref<112x144xf32, #tpu.memory_space<vmem>>, vector<16xf32>,
        tpu.vector_store %arg14[%parallel_loop3A_272, %parallel_loop3A_273], %parallel_loop3A_271 {strides = array<i32>} : memref<112x144xf32, #tpu.memory_space<vmem>>, vector<16xf32>,
        %parallel_loop3A_275 = arith.index_cast %parallel_loop3A_201 : i32 to index
        %parallel_loop3A_276 = arith.constant 64 : index
        %parallel_loop3A_277 = tpu.vector_load %arg10[%parallel_loop3A_275, %parallel_loop3A_276] {strides = array<i32>} : memref<112x160xbf16, #tpu.memory_space<vmem>>, vector<32xbf16>,
        %parallel_loop3A_278 = vector.bitcast %parallel_loop3A_277 : vector<32xbf16> to vector<16xi32>
        %parallel_loop3A_279 = arith.constant 16 : i32
        %parallel_loop3A_280 = vector.broadcast %parallel_loop3A_279 : i32 to vector<16xi32>
        %parallel_loop3A_281 = arith.shli %parallel_loop3A_278, %parallel_loop3A_280 : vector<16xi32>
        %parallel_loop3A_282 = vector.bitcast %parallel_loop3A_281 : vector<16xi32> to vector<16xf32>
        %parallel_loop3A_283 = vector.broadcast %scan3A : i32 to vector<16xi32>
        %parallel_loop3A_284 = arith.andi %parallel_loop3A_278, %parallel_loop3A_283 : vector<16xi32>
        %parallel_loop3A_285 = vector.bitcast %parallel_loop3A_284 : vector<16xi32> to vector<16xf32>
        %parallel_loop3A_286 = vector.extract_strided_slice %parallel_loop3A_221 {offsets = [4], sizes = [1], strides = [1]} : vector<16xf32> to vector<1xf32>
        %parallel_loop3A_287 = vector.extract %parallel_loop3A_286[0] : f32 from vector<1xf32>
        %parallel_loop3A_288 = vector.broadcast %parallel_loop3A_287 : f32 to vector<16xf32>
        %parallel_loop3A_289 = arith.mulf %parallel_loop3A_282, %parallel_loop3A_288 : vector<16xf32>
        %parallel_loop3A_290 = arith.index_cast %parallel_loop3A_201 : i32 to index
        %parallel_loop3A_291 = arith.constant 64 : index
        %parallel_loop3A_292 = tpu.vector_load %arg14[%parallel_loop3A_290, %parallel_loop3A_291] {strides = array<i32>} : memref<112x144xf32, #tpu.memory_space<vmem>>, vector<16xf32>,
        tpu.vector_store %arg14[%parallel_loop3A_290, %parallel_loop3A_291], %parallel_loop3A_289 {strides = array<i32>} : memref<112x144xf32, #tpu.memory_space<vmem>>, vector<16xf32>,
        %parallel_loop3A_293 = vector.extract_strided_slice %parallel_loop3A_221 {offsets = [5], sizes = [1], strides = [1]} : vector<16xf32> to vector<1xf32>
        %parallel_loop3A_294 = vector.extract %parallel_loop3A_293[0] : f32 from vector<1xf32>
        %parallel_loop3A_295 = vector.broadcast %parallel_loop3A_294 : f32 to vector<16xf32>
        %parallel_loop3A_296 = arith.mulf %parallel_loop3A_285, %parallel_loop3A_295 : vector<16xf32>
        %parallel_loop3A_297 = arith.index_cast %parallel_loop3A_201 : i32 to index
        %parallel_loop3A_298 = arith.constant 80 : index
        %parallel_loop3A_299 = tpu.vector_load %arg14[%parallel_loop3A_297, %parallel_loop3A_298] {strides = array<i32>} : memref<112x144xf32, #tpu.memory_space<vmem>>, vector<16xf32>,
        tpu.vector_store %arg14[%parallel_loop3A_297, %parallel_loop3A_298], %parallel_loop3A_296 {strides = array<i32>} : memref<112x144xf32, #tpu.memory_space<vmem>>, vector<16xf32>,
        %parallel_loop3A_300 = arith.index_cast %parallel_loop3A_201 : i32 to index
        %parallel_loop3A_301 = arith.constant 96 : index
        %parallel_loop3A_302 = tpu.vector_load %arg10[%parallel_loop3A_300, %parallel_loop3A_301] {strides = array<i32>} : memref<112x160xbf16, #tpu.memory_space<vmem>>, vector<32xbf16>,
        %parallel_loop3A_303 = vector.bitcast %parallel_loop3A_302 : vector<32xbf16> to vector<16xi32>
        %parallel_loop3A_304 = arith.constant 16 : i32
        %parallel_loop3A_305 = vector.broadcast %parallel_loop3A_304 : i32 to vector<16xi32>
        %parallel_loop3A_306 = arith.shli %parallel_loop3A_303, %parallel_loop3A_305 : vector<16xi32>
        %parallel_loop3A_307 = vector.bitcast %parallel_loop3A_306 : vector<16xi32> to vector<16xf32>
        %parallel_loop3A_308 = vector.broadcast %scan3A : i32 to vector<16xi32>
        %parallel_loop3A_309 = arith.andi %parallel_loop3A_303, %parallel_loop3A_308 : vector<16xi32>
        %parallel_loop3A_310 = vector.bitcast %parallel_loop3A_309 : vector<16xi32> to vector<16xf32>
        %parallel_loop3A_311 = vector.extract_strided_slice %parallel_loop3A_221 {offsets = [6], sizes = [1], strides = [1]} : vector<16xf32> to vector<1xf32>
        %parallel_loop3A_312 = vector.extract %parallel_loop3A_311[0] : f32 from vector<1xf32>
        %parallel_loop3A_313 = vector.broadcast %parallel_loop3A_312 : f32 to vector<16xf32>
        %parallel_loop3A_314 = arith.mulf %parallel_loop3A_307, %parallel_loop3A_313 : vector<16xf32>
        %parallel_loop3A_315 = arith.index_cast %parallel_loop3A_201 : i32 to index
        %parallel_loop3A_316 = arith.constant 96 : index
        %parallel_loop3A_317 = tpu.vector_load %arg14[%parallel_loop3A_315, %parallel_loop3A_316] {strides = array<i32>} : memref<112x144xf32, #tpu.memory_space<vmem>>, vector<16xf32>,
        tpu.vector_store %arg14[%parallel_loop3A_315, %parallel_loop3A_316], %parallel_loop3A_314 {strides = array<i32>} : memref<112x144xf32, #tpu.memory_space<vmem>>, vector<16xf32>,
        %parallel_loop3A_318 = vector.extract_strided_slice %parallel_loop3A_221 {offsets = [7], sizes = [1], strides = [1]} : vector<16xf32> to vector<1xf32>
        %parallel_loop3A_319 = vector.extract %parallel_loop3A_318[0] : f32 from vector<1xf32>
        %parallel_loop3A_320 = vector.broadcast %parallel_loop3A_319 : f32 to vector<16xf32>
        %parallel_loop3A_321 = arith.mulf %parallel_loop3A_310, %parallel_loop3A_320 : vector<16xf32>
        %parallel_loop3A_322 = arith.index_cast %parallel_loop3A_201 : i32 to index
        %parallel_loop3A_323 = arith.constant 112 : index
        %parallel_loop3A_324 = tpu.vector_load %arg14[%parallel_loop3A_322, %parallel_loop3A_323] {strides = array<i32>} : memref<112x144xf32, #tpu.memory_space<vmem>>, vector<16xf32>,
        tpu.vector_store %arg14[%parallel_loop3A_322, %parallel_loop3A_323], %parallel_loop3A_321 {strides = array<i32>} : memref<112x144xf32, #tpu.memory_space<vmem>>, vector<16xf32>,
      } {sc.loop_unroll_factor = 2 : i64, sc.parallel_access}
      %run_scoped3A = arith.constant 1 : i32
      "tpu.region"() ({
        %run_scoped3A_201 = tpu.sem_alloc : memref<!tpu.dma_semaphore, #tpu.memory_space<semaphore_mem>>
        %dma_start3A_202 = arith.constant 0 : i32
        %dma_start3A_203 = tpu.memref_slice %arg8[%run_scoped3A, %dma_start3A_202] : memref<2x112xi32, #tpu.memory_space<vmem>> -> memref<1x112xi32, #tpu.memory_space<vmem>>
        %dma_start3A_204 = tpu.memref_squeeze %dma_start3A_203 : memref<1x112xi32, #tpu.memory_space<vmem>> -> memref<112xi32, #tpu.memory_space<vmem>>
        %dma_start3A_205 = arith.constant 0 : i32
        %dma_start3A_206 = arith.constant 0 : i32
        %dma_start3A_207 = tpu.memref_slice %arg15[%dma_start3A_205, %dma_start3A_206] : memref<10016x144xf32, #tpu.memory_space<vmem_shared>> -> memref<10016x144xf32, #tpu.memory_space<vmem_shared>>
        tpu.enqueue_indirect_dma source(%arg14 : memref<112x144xf32, #tpu.memory_space<vmem>>) target(%dma_start3A_207 : memref<10016x144xf32, #tpu.memory_space<vmem_shared>>) offsets(%dma_start3A_204 : memref<112xi32, #tpu.memory_space<vmem>>) semaphore(%run_scoped3A_201 : memref<!tpu.dma_semaphore, #tpu.memory_space<semaphore_mem>>) {add = true}
        %dma_wait3A_208 = arith.constant 0 : i32
        %dma_wait3A_209 = tpu.memref_slice %arg8[%run_scoped3A, %dma_wait3A_208] : memref<2x112xi32, #tpu.memory_space<vmem>> -> memref<1x112xi32, #tpu.memory_space<vmem>>
        %dma_wait3A_210 = tpu.memref_squeeze %dma_wait3A_209 : memref<1x112xi32, #tpu.memory_space<vmem>> -> memref<112xi32, #tpu.memory_space<vmem>>
        %dma_wait3A_211 = arith.constant 0 : i32
        %dma_wait3A_212 = arith.constant 0 : i32
        %dma_wait3A_213 = tpu.memref_slice %arg15[%dma_wait3A_211, %dma_wait3A_212] : memref<10016x144xf32, #tpu.memory_space<vmem_shared>> -> memref<10016x144xf32, #tpu.memory_space<vmem_shared>>
        tpu.wait_indirect_dma semaphore(%run_scoped3A_201 : memref<!tpu.dma_semaphore, #tpu.memory_space<semaphore_mem>>) src(%arg14 : memref<112x144xf32, #tpu.memory_space<vmem>>) dst(%dma_wait3A_213 : memref<10016x144xf32, #tpu.memory_space<vmem_shared>>)
        tpu.yield
      }) : () -> ()
      %lt3A = arith.constant 22 : i32
      %lt3A_177 = arith.cmpi slt, %scan3A_115, %lt3A : i32
      %convert_element_type3A = arith.extui %lt3A_177 : i1 to i32
      %cond3A = arith.constant 0 : i32
      %cond3A_178 = arith.cmpi ne, %convert_element_type3A, %cond3A : i32
      scf.if %cond3A_178 {
        %add3A_201 = arith.constant 2 : i32
        %add3A_202 = arith.addi %mul3A_118, %add3A_201 : i32
        %dma_start3A_203 = arith.constant 0 : i32
        %dma_start3A_204 = arith.constant 0 : i32
        %dma_start3A_205 = tpu.memref_slice %arg8[%dma_start3A_203, %dma_start3A_204] : memref<2x112xi32, #tpu.memory_space<vmem>> -> memref<1x112xi32, #tpu.memory_space<vmem>>
        %dma_start3A_206 = tpu.memref_squeeze %dma_start3A_205 : memref<1x112xi32, #tpu.memory_space<vmem>> -> memref<112xi32, #tpu.memory_space<vmem>>
        %dma_start3A_207 = arith.constant 0 : i32
        %dma_start3A_208 = tpu.memref_slice %arg4[%add3A, %add3A_202, %dma_start3A_207] : memref<32x46x112xi32, #tpu.memory_space<hbm>> -> memref<1x1x112xi32, #tpu.memory_space<hbm>>
        %dma_start3A_209 = tpu.memref_squeeze %dma_start3A_208 : memref<1x1x112xi32, #tpu.memory_space<hbm>> -> memref<112xi32, #tpu.memory_space<hbm>>
        %dma_start3A_210 = arith.constant 0 : i32
        %dma_start3A_211 = tpu.memref_slice %arg8[%dma_start3A_203, %dma_start3A_210] : memref<2x112xi32, #tpu.memory_space<vmem>> -> memref<1x112xi32, #tpu.memory_space<vmem>>
        %dma_start3A_212 = tpu.memref_squeeze %dma_start3A_211 : memref<1x112xi32, #tpu.memory_space<vmem>> -> memref<112xi32, #tpu.memory_space<vmem>>
        %dma_start3A_213 = arith.constant 0 : i32
        %dma_start3A_214 = tpu.memref_slice %arg4[%add3A, %add3A_202, %dma_start3A_213] : memref<32x46x112xi32, #tpu.memory_space<hbm>> -> memref<1x1x112xi32, #tpu.memory_space<hbm>>
        %dma_start3A_215 = tpu.memref_squeeze %dma_start3A_214 : memref<1x1x112xi32, #tpu.memory_space<hbm>> -> memref<112xi32, #tpu.memory_space<hbm>>
        tpu.enqueue_dma source(%dma_start3A_215 : memref<112xi32, #tpu.memory_space<hbm>>) target(%dma_start3A_212 : memref<112xi32, #tpu.memory_space<vmem>>) target_semaphore(%arg18 : memref<!tpu.dma_semaphore, #tpu.memory_space<semaphore_mem>>)
        %dma_start3A_216 = arith.constant 1 : i32
        %dma_start3A_217 = arith.constant 0 : i32
        %dma_start3A_218 = tpu.memref_slice %arg8[%dma_start3A_216, %dma_start3A_217] : memref<2x112xi32, #tpu.memory_space<vmem>> -> memref<1x112xi32, #tpu.memory_space<vmem>>
        %dma_start3A_219 = tpu.memref_squeeze %dma_start3A_218 : memref<1x112xi32, #tpu.memory_space<vmem>> -> memref<112xi32, #tpu.memory_space<vmem>>
        %dma_start3A_220 = arith.constant 0 : i32
        %dma_start3A_221 = tpu.memref_slice %arg5[%add3A, %add3A_202, %dma_start3A_220] : memref<32x46x112xi32, #tpu.memory_space<hbm>> -> memref<1x1x112xi32, #tpu.memory_space<hbm>>
        %dma_start3A_222 = tpu.memref_squeeze %dma_start3A_221 : memref<1x1x112xi32, #tpu.memory_space<hbm>> -> memref<112xi32, #tpu.memory_space<hbm>>
        %dma_start3A_223 = arith.constant 0 : i32
        %dma_start3A_224 = tpu.memref_slice %arg8[%dma_start3A_216, %dma_start3A_223] : memref<2x112xi32, #tpu.memory_space<vmem>> -> memref<1x112xi32, #tpu.memory_space<vmem>>
        %dma_start3A_225 = tpu.memref_squeeze %dma_start3A_224 : memref<1x112xi32, #tpu.memory_space<vmem>> -> memref<112xi32, #tpu.memory_space<vmem>>
        %dma_start3A_226 = arith.constant 0 : i32
        %dma_start3A_227 = tpu.memref_slice %arg5[%add3A, %add3A_202, %dma_start3A_226] : memref<32x46x112xi32, #tpu.memory_space<hbm>> -> memref<1x1x112xi32, #tpu.memory_space<hbm>>
        %dma_start3A_228 = tpu.memref_squeeze %dma_start3A_227 : memref<1x1x112xi32, #tpu.memory_space<hbm>> -> memref<112xi32, #tpu.memory_space<hbm>>
        tpu.enqueue_dma source(%dma_start3A_228 : memref<112xi32, #tpu.memory_space<hbm>>) target(%dma_start3A_225 : memref<112xi32, #tpu.memory_space<vmem>>) target_semaphore(%arg18 : memref<!tpu.dma_semaphore, #tpu.memory_space<semaphore_mem>>)
        %dma_wait3A_229 = arith.constant 0 : i32
        %dma_wait3A_230 = arith.constant 0 : i32
        %dma_wait3A_231 = arith.constant 0 : i32
        %dma_wait3A_232 = arith.constant 0 : i32
        %dma_wait3A_233 = tpu.memref_slice %arg8[%dma_wait3A_231, %dma_wait3A_232] : memref<2x112xi32, #tpu.memory_space<vmem>> -> memref<1x112xi32, #tpu.memory_space<vmem>>
        %dma_wait3A_234 = tpu.memref_squeeze %dma_wait3A_233 : memref<1x112xi32, #tpu.memory_space<vmem>> -> memref<112xi32, #tpu.memory_space<vmem>>
        %dma_wait3A_235 = arith.constant 0 : i32
        %dma_wait3A_236 = tpu.memref_slice %arg4[%dma_wait3A_229, %dma_wait3A_230, %dma_wait3A_235] : memref<32x46x112xi32, #tpu.memory_space<hbm>> -> memref<1x1x112xi32, #tpu.memory_space<hbm>>
        %dma_wait3A_237 = tpu.memref_squeeze %dma_wait3A_236 : memref<1x1x112xi32, #tpu.memory_space<hbm>> -> memref<112xi32, #tpu.memory_space<hbm>>
        %dma_wait3A_238 = arith.constant 0 : i32
        %dma_wait3A_239 = tpu.memref_slice %arg8[%dma_wait3A_231, %dma_wait3A_238] : memref<2x112xi32, #tpu.memory_space<vmem>> -> memref<1x112xi32, #tpu.memory_space<vmem>>
        %dma_wait3A_240 = tpu.memref_squeeze %dma_wait3A_239 : memref<1x112xi32, #tpu.memory_space<vmem>> -> memref<112xi32, #tpu.memory_space<vmem>>
        %dma_wait3A_241 = arith.constant 0 : i32
        %dma_wait3A_242 = tpu.memref_slice %arg4[%dma_wait3A_229, %dma_wait3A_230, %dma_wait3A_241] : memref<32x46x112xi32, #tpu.memory_space<hbm>> -> memref<1x1x112xi32, #tpu.memory_space<hbm>>
        %dma_wait3A_243 = tpu.memref_squeeze %dma_wait3A_242 : memref<1x1x112xi32, #tpu.memory_space<hbm>> -> memref<112xi32, #tpu.memory_space<hbm>>
        tpu.wait_dma2 semaphore(%arg18 : memref<!tpu.dma_semaphore, #tpu.memory_space<semaphore_mem>>) src(%dma_wait3A_243 : memref<112xi32, #tpu.memory_space<hbm>>) dst(%dma_wait3A_240 : memref<112xi32, #tpu.memory_space<vmem>>)
        %dma_wait3A_244 = arith.constant 0 : i32
        %dma_wait3A_245 = arith.constant 0 : i32
        %dma_wait3A_246 = arith.constant 1 : i32
        %dma_wait3A_247 = arith.constant 0 : i32
        %dma_wait3A_248 = tpu.memref_slice %arg8[%dma_wait3A_246, %dma_wait3A_247] : memref<2x112xi32, #tpu.memory_space<vmem>> -> memref<1x112xi32, #tpu.memory_space<vmem>>
        %dma_wait3A_249 = tpu.memref_squeeze %dma_wait3A_248 : memref<1x112xi32, #tpu.memory_space<vmem>> -> memref<112xi32, #tpu.memory_space<vmem>>
        %dma_wait3A_250 = arith.constant 0 : i32
        %dma_wait3A_251 = tpu.memref_slice %arg5[%dma_wait3A_244, %dma_wait3A_245, %dma_wait3A_250] : memref<32x46x112xi32, #tpu.memory_space<hbm>> -> memref<1x1x112xi32, #tpu.memory_space<hbm>>
        %dma_wait3A_252 = tpu.memref_squeeze %dma_wait3A_251 : memref<1x1x112xi32, #tpu.memory_space<hbm>> -> memref<112xi32, #tpu.memory_space<hbm>>
        %dma_wait3A_253 = arith.constant 0 : i32
        %dma_wait3A_254 = tpu.memref_slice %arg8[%dma_wait3A_246, %dma_wait3A_253] : memref<2x112xi32, #tpu.memory_space<vmem>> -> memref<1x112xi32, #tpu.memory_space<vmem>>
        %dma_wait3A_255 = tpu.memref_squeeze %dma_wait3A_254 : memref<1x112xi32, #tpu.memory_space<vmem>> -> memref<112xi32, #tpu.memory_space<vmem>>
        %dma_wait3A_256 = arith.constant 0 : i32
        %dma_wait3A_257 = tpu.memref_slice %arg5[%dma_wait3A_244, %dma_wait3A_245, %dma_wait3A_256] : memref<32x46x112xi32, #tpu.memory_space<hbm>> -> memref<1x1x112xi32, #tpu.memory_space<hbm>>
        %dma_wait3A_258 = tpu.memref_squeeze %dma_wait3A_257 : memref<1x1x112xi32, #tpu.memory_space<hbm>> -> memref<112xi32, #tpu.memory_space<hbm>>
        tpu.wait_dma2 semaphore(%arg18 : memref<!tpu.dma_semaphore, #tpu.memory_space<semaphore_mem>>) src(%dma_wait3A_258 : memref<112xi32, #tpu.memory_space<hbm>>) dst(%dma_wait3A_255 : memref<112xi32, #tpu.memory_space<vmem>>)
        %dma_start3A_259 = arith.constant 0 : i32
        %dma_start3A_260 = arith.constant 0 : i32
        %dma_start3A_261 = tpu.memref_slice %arg8[%dma_start3A_259, %dma_start3A_260] : memref<2x112xi32, #tpu.memory_space<vmem>> -> memref<1x112xi32, #tpu.memory_space<vmem>>
        %dma_start3A_262 = tpu.memref_squeeze %dma_start3A_261 : memref<1x112xi32, #tpu.memory_space<vmem>> -> memref<112xi32, #tpu.memory_space<vmem>>
        %dma_start3A_263 = arith.constant 0 : i32
        %dma_start3A_264 = arith.constant 0 : i32
        %dma_start3A_265 = tpu.memref_slice %arg2[%dma_start3A_263, %dma_start3A_264] : memref<10016x160xbf16, #tpu.memory_space<hbm>> -> memref<10016x160xbf16, #tpu.memory_space<hbm>>
        tpu.enqueue_indirect_dma source(%dma_start3A_265 : memref<10016x160xbf16, #tpu.memory_space<hbm>>) target(%arg10 : memref<112x160xbf16, #tpu.memory_space<vmem>>) offsets(%dma_start3A_262 : memref<112xi32, #tpu.memory_space<vmem>>) semaphore(%arg16 : memref<!tpu.dma_semaphore, #tpu.memory_space<semaphore_mem>>)
        %dma_start3A_266 = arith.constant 1 : i32
        %dma_start3A_267 = arith.constant 0 : i32
        %dma_start3A_268 = tpu.memref_slice %arg8[%dma_start3A_266, %dma_start3A_267] : memref<2x112xi32, #tpu.memory_space<vmem>> -> memref<1x112xi32, #tpu.memory_space<vmem>>
        %dma_start3A_269 = tpu.memref_squeeze %dma_start3A_268 : memref<1x112xi32, #tpu.memory_space<vmem>> -> memref<112xi32, #tpu.memory_space<vmem>>
        %dma_start3A_270 = arith.constant 0 : i32
        %dma_start3A_271 = arith.constant 0 : i32
        %dma_start3A_272 = tpu.memref_slice %arg3[%dma_start3A_270, %dma_start3A_271] : memref<10016x16xf32, #tpu.memory_space<hbm>> -> memref<10016x16xf32, #tpu.memory_space<hbm>>
        tpu.enqueue_indirect_dma source(%dma_start3A_272 : memref<10016x16xf32, #tpu.memory_space<hbm>>) target(%arg12 : memref<112x16xf32, #tpu.memory_space<vmem>>) offsets(%dma_start3A_269 : memref<112xi32, #tpu.memory_space<vmem>>) semaphore(%arg16 : memref<!tpu.dma_semaphore, #tpu.memory_space<semaphore_mem>>)
      } else {
      }
      %dma_wait3A_179 = arith.constant 0 : i32
      %dma_wait3A_180 = arith.constant 0 : i32
      %dma_wait3A_181 = tpu.memref_slice %arg2[%dma_wait3A_179, %dma_wait3A_180] : memref<10016x160xbf16, #tpu.memory_space<hbm>> -> memref<112x160xbf16, #tpu.memory_space<hbm>>
      %dma_wait3A_182 = arith.constant 0 : i32
      %dma_wait3A_183 = arith.constant 0 : i32
      %dma_wait3A_184 = tpu.memref_slice %arg2[%dma_wait3A_182, %dma_wait3A_183] : memref<10016x160xbf16, #tpu.memory_space<hbm>> -> memref<112x160xbf16, #tpu.memory_space<hbm>>
      tpu.wait_dma2 semaphore(%arg17 : memref<!tpu.dma_semaphore, #tpu.memory_space<semaphore_mem>>) src(%dma_wait3A_184 : memref<112x160xbf16, #tpu.memory_space<hbm>>) dst(%arg11 : memref<112x160xbf16, #tpu.memory_space<vmem>>)
      %dma_wait3A_185 = arith.constant 0 : i32
      %dma_wait3A_186 = arith.constant 0 : i32
      %dma_wait3A_187 = tpu.memref_slice %arg3[%dma_wait3A_185, %dma_wait3A_186] : memref<10016x16xf32, #tpu.memory_space<hbm>> -> memref<112x16xf32, #tpu.memory_space<hbm>>
      %dma_wait3A_188 = arith.constant 0 : i32
      %dma_wait3A_189 = arith.constant 0 : i32
      %dma_wait3A_190 = tpu.memref_slice %arg3[%dma_wait3A_188, %dma_wait3A_189] : memref<10016x16xf32, #tpu.memory_space<hbm>> -> memref<112x16xf32, #tpu.memory_space<hbm>>
      tpu.wait_dma2 semaphore(%arg17 : memref<!tpu.dma_semaphore, #tpu.memory_space<semaphore_mem>>) src(%dma_wait3A_190 : memref<112x16xf32, #tpu.memory_space<hbm>>) dst(%arg13 : memref<112x16xf32, #tpu.memory_space<vmem>>)
      %parallel_loop3A_191 = arith.constant 0 : i32
      %parallel_loop3A_192 = arith.constant 112 : i32
      %parallel_loop3A_193 = arith.constant 1 : i32
      scf.for %parallel_loop3A_201 = %parallel_loop3A_191 to %parallel_loop3A_192 step %parallel_loop3A_193  : i32 {
        %parallel_loop3A_202 = arith.index_cast %parallel_loop3A_201 : i32 to index
        %parallel_loop3A_203 = arith.constant 128 : index
        %parallel_loop3A_204 = tpu.vector_load %arg11[%parallel_loop3A_202, %parallel_loop3A_203] {strides = array<i32>} : memref<112x160xbf16, #tpu.memory_space<vmem>>, vector<32xbf16>,
        %parallel_loop3A_205 = vector.bitcast %parallel_loop3A_204 : vector<32xbf16> to vector<16xi32>
        %parallel_loop3A_206 = arith.constant 16 : i32
        %parallel_loop3A_207 = vector.broadcast %parallel_loop3A_206 : i32 to vector<16xi32>
        %parallel_loop3A_208 = arith.shli %parallel_loop3A_205, %parallel_loop3A_207 : vector<16xi32>
        %parallel_loop3A_209 = vector.bitcast %parallel_loop3A_208 : vector<16xi32> to vector<16xf32>
        %parallel_loop3A_210 = arith.index_cast %parallel_loop3A_201 : i32 to index
        %parallel_loop3A_211 = arith.constant 0 : index
        %parallel_loop3A_212 = tpu.vector_load %arg13[%parallel_loop3A_210, %parallel_loop3A_211] {strides = array<i32>} : memref<112x16xf32, #tpu.memory_space<vmem>>, vector<16xf32>,
        %parallel_loop3A_213 = arith.addf %parallel_loop3A_209, %parallel_loop3A_212 : vector<16xf32>
        %parallel_loop3A_214 = arith.constant 0.000000e+00 : f32
        %parallel_loop3A_215 = vector.broadcast %parallel_loop3A_214 : f32 to vector<16xf32>
        %parallel_loop3A_216 = arith.cmpf oge, %parallel_loop3A_213, %parallel_loop3A_215 : vector<16xf32>
        %parallel_loop3A_217 = arith.constant 2.000000e-01 : f32
        %parallel_loop3A_218 = vector.broadcast %parallel_loop3A_217 : f32 to vector<16xf32>
        %parallel_loop3A_219 = arith.mulf %parallel_loop3A_213, %parallel_loop3A_218 : vector<16xf32>
        %parallel_loop3A_220 = arith.select %parallel_loop3A_216, %parallel_loop3A_213, %parallel_loop3A_219 : vector<16xi1>, vector<16xf32>
        %parallel_loop3A_221 = math.exp %parallel_loop3A_220 : vector<16xf32>
        %parallel_loop3A_222 = arith.index_cast %parallel_loop3A_201 : i32 to index
        %parallel_loop3A_223 = arith.constant 128 : index
        %parallel_loop3A_224 = tpu.vector_load %arg14[%parallel_loop3A_222, %parallel_loop3A_223] {strides = array<i32>} : memref<112x144xf32, #tpu.memory_space<vmem>>, vector<16xf32>,
        tpu.vector_store %arg14[%parallel_loop3A_222, %parallel_loop3A_223], %parallel_loop3A_221 {strides = array<i32>} : memref<112x144xf32, #tpu.memory_space<vmem>>, vector<16xf32>,
        %parallel_loop3A_225 = arith.index_cast %parallel_loop3A_201 : i32 to index
        %parallel_loop3A_226 = arith.constant 0 : index
        %parallel_loop3A_227 = tpu.vector_load %arg11[%parallel_loop3A_225, %parallel_loop3A_226] {strides = array<i32>} : memref<112x160xbf16, #tpu.memory_space<vmem>>, vector<32xbf16>,
        %parallel_loop3A_228 = vector.bitcast %parallel_loop3A_227 : vector<32xbf16> to vector<16xi32>
        %parallel_loop3A_229 = arith.constant 16 : i32
        %parallel_loop3A_230 = vector.broadcast %parallel_loop3A_229 : i32 to vector<16xi32>
        %parallel_loop3A_231 = arith.shli %parallel_loop3A_228, %parallel_loop3A_230 : vector<16xi32>
        %parallel_loop3A_232 = vector.bitcast %parallel_loop3A_231 : vector<16xi32> to vector<16xf32>
        %parallel_loop3A_233 = vector.broadcast %scan3A : i32 to vector<16xi32>
        %parallel_loop3A_234 = arith.andi %parallel_loop3A_228, %parallel_loop3A_233 : vector<16xi32>
        %parallel_loop3A_235 = vector.bitcast %parallel_loop3A_234 : vector<16xi32> to vector<16xf32>
        %parallel_loop3A_236 = vector.extract_strided_slice %parallel_loop3A_221 {offsets = [0], sizes = [1], strides = [1]} : vector<16xf32> to vector<1xf32>
        %parallel_loop3A_237 = vector.extract %parallel_loop3A_236[0] : f32 from vector<1xf32>
        %parallel_loop3A_238 = vector.broadcast %parallel_loop3A_237 : f32 to vector<16xf32>
        %parallel_loop3A_239 = arith.mulf %parallel_loop3A_232, %parallel_loop3A_238 : vector<16xf32>
        %parallel_loop3A_240 = arith.index_cast %parallel_loop3A_201 : i32 to index
        %parallel_loop3A_241 = arith.constant 0 : index
        %parallel_loop3A_242 = tpu.vector_load %arg14[%parallel_loop3A_240, %parallel_loop3A_241] {strides = array<i32>} : memref<112x144xf32, #tpu.memory_space<vmem>>, vector<16xf32>,
        tpu.vector_store %arg14[%parallel_loop3A_240, %parallel_loop3A_241], %parallel_loop3A_239 {strides = array<i32>} : memref<112x144xf32, #tpu.memory_space<vmem>>, vector<16xf32>,
        %parallel_loop3A_243 = vector.extract_strided_slice %parallel_loop3A_221 {offsets = [1], sizes = [1], strides = [1]} : vector<16xf32> to vector<1xf32>
        %parallel_loop3A_244 = vector.extract %parallel_loop3A_243[0] : f32 from vector<1xf32>
        %parallel_loop3A_245 = vector.broadcast %parallel_loop3A_244 : f32 to vector<16xf32>
        %parallel_loop3A_246 = arith.mulf %parallel_loop3A_235, %parallel_loop3A_245 : vector<16xf32>
        %parallel_loop3A_247 = arith.index_cast %parallel_loop3A_201 : i32 to index
        %parallel_loop3A_248 = arith.constant 16 : index
        %parallel_loop3A_249 = tpu.vector_load %arg14[%parallel_loop3A_247, %parallel_loop3A_248] {strides = array<i32>} : memref<112x144xf32, #tpu.memory_space<vmem>>, vector<16xf32>,
        tpu.vector_store %arg14[%parallel_loop3A_247, %parallel_loop3A_248], %parallel_loop3A_246 {strides = array<i32>} : memref<112x144xf32, #tpu.memory_space<vmem>>, vector<16xf32>,
        %parallel_loop3A_250 = arith.index_cast %parallel_loop3A_201 : i32 to index
        %parallel_loop3A_251 = arith.constant 32 : index
        %parallel_loop3A_252 = tpu.vector_load %arg11[%parallel_loop3A_250, %parallel_loop3A_251] {strides = array<i32>} : memref<112x160xbf16, #tpu.memory_space<vmem>>, vector<32xbf16>,
        %parallel_loop3A_253 = vector.bitcast %parallel_loop3A_252 : vector<32xbf16> to vector<16xi32>
        %parallel_loop3A_254 = arith.constant 16 : i32
        %parallel_loop3A_255 = vector.broadcast %parallel_loop3A_254 : i32 to vector<16xi32>
        %parallel_loop3A_256 = arith.shli %parallel_loop3A_253, %parallel_loop3A_255 : vector<16xi32>
        %parallel_loop3A_257 = vector.bitcast %parallel_loop3A_256 : vector<16xi32> to vector<16xf32>
        %parallel_loop3A_258 = vector.broadcast %scan3A : i32 to vector<16xi32>
        %parallel_loop3A_259 = arith.andi %parallel_loop3A_253, %parallel_loop3A_258 : vector<16xi32>
        %parallel_loop3A_260 = vector.bitcast %parallel_loop3A_259 : vector<16xi32> to vector<16xf32>
        %parallel_loop3A_261 = vector.extract_strided_slice %parallel_loop3A_221 {offsets = [2], sizes = [1], strides = [1]} : vector<16xf32> to vector<1xf32>
        %parallel_loop3A_262 = vector.extract %parallel_loop3A_261[0] : f32 from vector<1xf32>
        %parallel_loop3A_263 = vector.broadcast %parallel_loop3A_262 : f32 to vector<16xf32>
        %parallel_loop3A_264 = arith.mulf %parallel_loop3A_257, %parallel_loop3A_263 : vector<16xf32>
        %parallel_loop3A_265 = arith.index_cast %parallel_loop3A_201 : i32 to index
        %parallel_loop3A_266 = arith.constant 32 : index
        %parallel_loop3A_267 = tpu.vector_load %arg14[%parallel_loop3A_265, %parallel_loop3A_266] {strides = array<i32>} : memref<112x144xf32, #tpu.memory_space<vmem>>, vector<16xf32>,
        tpu.vector_store %arg14[%parallel_loop3A_265, %parallel_loop3A_266], %parallel_loop3A_264 {strides = array<i32>} : memref<112x144xf32, #tpu.memory_space<vmem>>, vector<16xf32>,
        %parallel_loop3A_268 = vector.extract_strided_slice %parallel_loop3A_221 {offsets = [3], sizes = [1], strides = [1]} : vector<16xf32> to vector<1xf32>
        %parallel_loop3A_269 = vector.extract %parallel_loop3A_268[0] : f32 from vector<1xf32>
        %parallel_loop3A_270 = vector.broadcast %parallel_loop3A_269 : f32 to vector<16xf32>
        %parallel_loop3A_271 = arith.mulf %parallel_loop3A_260, %parallel_loop3A_270 : vector<16xf32>
        %parallel_loop3A_272 = arith.index_cast %parallel_loop3A_201 : i32 to index
        %parallel_loop3A_273 = arith.constant 48 : index
        %parallel_loop3A_274 = tpu.vector_load %arg14[%parallel_loop3A_272, %parallel_loop3A_273] {strides = array<i32>} : memref<112x144xf32, #tpu.memory_space<vmem>>, vector<16xf32>,
        tpu.vector_store %arg14[%parallel_loop3A_272, %parallel_loop3A_273], %parallel_loop3A_271 {strides = array<i32>} : memref<112x144xf32, #tpu.memory_space<vmem>>, vector<16xf32>,
        %parallel_loop3A_275 = arith.index_cast %parallel_loop3A_201 : i32 to index
        %parallel_loop3A_276 = arith.constant 64 : index
        %parallel_loop3A_277 = tpu.vector_load %arg11[%parallel_loop3A_275, %parallel_loop3A_276] {strides = array<i32>} : memref<112x160xbf16, #tpu.memory_space<vmem>>, vector<32xbf16>,
        %parallel_loop3A_278 = vector.bitcast %parallel_loop3A_277 : vector<32xbf16> to vector<16xi32>
        %parallel_loop3A_279 = arith.constant 16 : i32
        %parallel_loop3A_280 = vector.broadcast %parallel_loop3A_279 : i32 to vector<16xi32>
        %parallel_loop3A_281 = arith.shli %parallel_loop3A_278, %parallel_loop3A_280 : vector<16xi32>
        %parallel_loop3A_282 = vector.bitcast %parallel_loop3A_281 : vector<16xi32> to vector<16xf32>
        %parallel_loop3A_283 = vector.broadcast %scan3A : i32 to vector<16xi32>
        %parallel_loop3A_284 = arith.andi %parallel_loop3A_278, %parallel_loop3A_283 : vector<16xi32>
        %parallel_loop3A_285 = vector.bitcast %parallel_loop3A_284 : vector<16xi32> to vector<16xf32>
        %parallel_loop3A_286 = vector.extract_strided_slice %parallel_loop3A_221 {offsets = [4], sizes = [1], strides = [1]} : vector<16xf32> to vector<1xf32>
        %parallel_loop3A_287 = vector.extract %parallel_loop3A_286[0] : f32 from vector<1xf32>
        %parallel_loop3A_288 = vector.broadcast %parallel_loop3A_287 : f32 to vector<16xf32>
        %parallel_loop3A_289 = arith.mulf %parallel_loop3A_282, %parallel_loop3A_288 : vector<16xf32>
        %parallel_loop3A_290 = arith.index_cast %parallel_loop3A_201 : i32 to index
        %parallel_loop3A_291 = arith.constant 64 : index
        %parallel_loop3A_292 = tpu.vector_load %arg14[%parallel_loop3A_290, %parallel_loop3A_291] {strides = array<i32>} : memref<112x144xf32, #tpu.memory_space<vmem>>, vector<16xf32>,
        tpu.vector_store %arg14[%parallel_loop3A_290, %parallel_loop3A_291], %parallel_loop3A_289 {strides = array<i32>} : memref<112x144xf32, #tpu.memory_space<vmem>>, vector<16xf32>,
        %parallel_loop3A_293 = vector.extract_strided_slice %parallel_loop3A_221 {offsets = [5], sizes = [1], strides = [1]} : vector<16xf32> to vector<1xf32>
        %parallel_loop3A_294 = vector.extract %parallel_loop3A_293[0] : f32 from vector<1xf32>
        %parallel_loop3A_295 = vector.broadcast %parallel_loop3A_294 : f32 to vector<16xf32>
        %parallel_loop3A_296 = arith.mulf %parallel_loop3A_285, %parallel_loop3A_295 : vector<16xf32>
        %parallel_loop3A_297 = arith.index_cast %parallel_loop3A_201 : i32 to index
        %parallel_loop3A_298 = arith.constant 80 : index
        %parallel_loop3A_299 = tpu.vector_load %arg14[%parallel_loop3A_297, %parallel_loop3A_298] {strides = array<i32>} : memref<112x144xf32, #tpu.memory_space<vmem>>, vector<16xf32>,
        tpu.vector_store %arg14[%parallel_loop3A_297, %parallel_loop3A_298], %parallel_loop3A_296 {strides = array<i32>} : memref<112x144xf32, #tpu.memory_space<vmem>>, vector<16xf32>,
        %parallel_loop3A_300 = arith.index_cast %parallel_loop3A_201 : i32 to index
        %parallel_loop3A_301 = arith.constant 96 : index
        %parallel_loop3A_302 = tpu.vector_load %arg11[%parallel_loop3A_300, %parallel_loop3A_301] {strides = array<i32>} : memref<112x160xbf16, #tpu.memory_space<vmem>>, vector<32xbf16>,
        %parallel_loop3A_303 = vector.bitcast %parallel_loop3A_302 : vector<32xbf16> to vector<16xi32>
        %parallel_loop3A_304 = arith.constant 16 : i32
        %parallel_loop3A_305 = vector.broadcast %parallel_loop3A_304 : i32 to vector<16xi32>
        %parallel_loop3A_306 = arith.shli %parallel_loop3A_303, %parallel_loop3A_305 : vector<16xi32>
        %parallel_loop3A_307 = vector.bitcast %parallel_loop3A_306 : vector<16xi32> to vector<16xf32>
        %parallel_loop3A_308 = vector.broadcast %scan3A : i32 to vector<16xi32>
        %parallel_loop3A_309 = arith.andi %parallel_loop3A_303, %parallel_loop3A_308 : vector<16xi32>
        %parallel_loop3A_310 = vector.bitcast %parallel_loop3A_309 : vector<16xi32> to vector<16xf32>
        %parallel_loop3A_311 = vector.extract_strided_slice %parallel_loop3A_221 {offsets = [6], sizes = [1], strides = [1]} : vector<16xf32> to vector<1xf32>
        %parallel_loop3A_312 = vector.extract %parallel_loop3A_311[0] : f32 from vector<1xf32>
        %parallel_loop3A_313 = vector.broadcast %parallel_loop3A_312 : f32 to vector<16xf32>
        %parallel_loop3A_314 = arith.mulf %parallel_loop3A_307, %parallel_loop3A_313 : vector<16xf32>
        %parallel_loop3A_315 = arith.index_cast %parallel_loop3A_201 : i32 to index
        %parallel_loop3A_316 = arith.constant 96 : index
        %parallel_loop3A_317 = tpu.vector_load %arg14[%parallel_loop3A_315, %parallel_loop3A_316] {strides = array<i32>} : memref<112x144xf32, #tpu.memory_space<vmem>>, vector<16xf32>,
        tpu.vector_store %arg14[%parallel_loop3A_315, %parallel_loop3A_316], %parallel_loop3A_314 {strides = array<i32>} : memref<112x144xf32, #tpu.memory_space<vmem>>, vector<16xf32>,
        %parallel_loop3A_318 = vector.extract_strided_slice %parallel_loop3A_221 {offsets = [7], sizes = [1], strides = [1]} : vector<16xf32> to vector<1xf32>
        %parallel_loop3A_319 = vector.extract %parallel_loop3A_318[0] : f32 from vector<1xf32>
        %parallel_loop3A_320 = vector.broadcast %parallel_loop3A_319 : f32 to vector<16xf32>
        %parallel_loop3A_321 = arith.mulf %parallel_loop3A_310, %parallel_loop3A_320 : vector<16xf32>
        %parallel_loop3A_322 = arith.index_cast %parallel_loop3A_201 : i32 to index
        %parallel_loop3A_323 = arith.constant 112 : index
        %parallel_loop3A_324 = tpu.vector_load %arg14[%parallel_loop3A_322, %parallel_loop3A_323] {strides = array<i32>} : memref<112x144xf32, #tpu.memory_space<vmem>>, vector<16xf32>,
        tpu.vector_store %arg14[%parallel_loop3A_322, %parallel_loop3A_323], %parallel_loop3A_321 {strides = array<i32>} : memref<112x144xf32, #tpu.memory_space<vmem>>, vector<16xf32>,
      } {sc.loop_unroll_factor = 2 : i64, sc.parallel_access}
      %run_scoped3A_194 = arith.constant 1 : i32
      "tpu.region"() ({
        %run_scoped3A_201 = tpu.sem_alloc : memref<!tpu.dma_semaphore, #tpu.memory_space<semaphore_mem>>
        %dma_start3A_202 = arith.constant 0 : i32
        %dma_start3A_203 = tpu.memref_slice %arg9[%run_scoped3A_194, %dma_start3A_202] : memref<2x112xi32, #tpu.memory_space<vmem>> -> memref<1x112xi32, #tpu.memory_space<vmem>>
        %dma_start3A_204 = tpu.memref_squeeze %dma_start3A_203 : memref<1x112xi32, #tpu.memory_space<vmem>> -> memref<112xi32, #tpu.memory_space<vmem>>
        %dma_start3A_205 = arith.constant 0 : i32
        %dma_start3A_206 = arith.constant 0 : i32
        %dma_start3A_207 = tpu.memref_slice %arg15[%dma_start3A_205, %dma_start3A_206] : memref<10016x144xf32, #tpu.memory_space<vmem_shared>> -> memref<10016x144xf32, #tpu.memory_space<vmem_shared>>
        tpu.enqueue_indirect_dma source(%arg14 : memref<112x144xf32, #tpu.memory_space<vmem>>) target(%dma_start3A_207 : memref<10016x144xf32, #tpu.memory_space<vmem_shared>>) offsets(%dma_start3A_204 : memref<112xi32, #tpu.memory_space<vmem>>) semaphore(%run_scoped3A_201 : memref<!tpu.dma_semaphore, #tpu.memory_space<semaphore_mem>>) {add = true}
        %dma_wait3A_208 = arith.constant 0 : i32
        %dma_wait3A_209 = tpu.memref_slice %arg9[%run_scoped3A_194, %dma_wait3A_208] : memref<2x112xi32, #tpu.memory_space<vmem>> -> memref<1x112xi32, #tpu.memory_space<vmem>>
        %dma_wait3A_210 = tpu.memref_squeeze %dma_wait3A_209 : memref<1x112xi32, #tpu.memory_space<vmem>> -> memref<112xi32, #tpu.memory_space<vmem>>
        %dma_wait3A_211 = arith.constant 0 : i32
        %dma_wait3A_212 = arith.constant 0 : i32
        %dma_wait3A_213 = tpu.memref_slice %arg15[%dma_wait3A_211, %dma_wait3A_212] : memref<10016x144xf32, #tpu.memory_space<vmem_shared>> -> memref<10016x144xf32, #tpu.memory_space<vmem_shared>>
        tpu.wait_indirect_dma semaphore(%run_scoped3A_201 : memref<!tpu.dma_semaphore, #tpu.memory_space<semaphore_mem>>) src(%arg14 : memref<112x144xf32, #tpu.memory_space<vmem>>) dst(%dma_wait3A_213 : memref<10016x144xf32, #tpu.memory_space<vmem_shared>>)
        tpu.yield
      }) : () -> ()
      %lt3A_195 = arith.constant 22 : i32
      %lt3A_196 = arith.cmpi slt, %scan3A_115, %lt3A_195 : i32
      %convert_element_type3A_197 = arith.extui %lt3A_196 : i1 to i32
      %cond3A_198 = arith.constant 0 : i32
      %cond3A_199 = arith.cmpi ne, %convert_element_type3A_197, %cond3A_198 : i32
      scf.if %cond3A_199 {
        %add3A_201 = arith.constant 3 : i32
        %add3A_202 = arith.addi %mul3A_118, %add3A_201 : i32
        %dma_start3A_203 = arith.constant 0 : i32
        %dma_start3A_204 = arith.constant 0 : i32
        %dma_start3A_205 = tpu.memref_slice %arg9[%dma_start3A_203, %dma_start3A_204] : memref<2x112xi32, #tpu.memory_space<vmem>> -> memref<1x112xi32, #tpu.memory_space<vmem>>
        %dma_start3A_206 = tpu.memref_squeeze %dma_start3A_205 : memref<1x112xi32, #tpu.memory_space<vmem>> -> memref<112xi32, #tpu.memory_space<vmem>>
        %dma_start3A_207 = arith.constant 0 : i32
        %dma_start3A_208 = tpu.memref_slice %arg4[%add3A, %add3A_202, %dma_start3A_207] : memref<32x46x112xi32, #tpu.memory_space<hbm>> -> memref<1x1x112xi32, #tpu.memory_space<hbm>>
        %dma_start3A_209 = tpu.memref_squeeze %dma_start3A_208 : memref<1x1x112xi32, #tpu.memory_space<hbm>> -> memref<112xi32, #tpu.memory_space<hbm>>
        %dma_start3A_210 = arith.constant 0 : i32
        %dma_start3A_211 = tpu.memref_slice %arg9[%dma_start3A_203, %dma_start3A_210] : memref<2x112xi32, #tpu.memory_space<vmem>> -> memref<1x112xi32, #tpu.memory_space<vmem>>
        %dma_start3A_212 = tpu.memref_squeeze %dma_start3A_211 : memref<1x112xi32, #tpu.memory_space<vmem>> -> memref<112xi32, #tpu.memory_space<vmem>>
        %dma_start3A_213 = arith.constant 0 : i32
        %dma_start3A_214 = tpu.memref_slice %arg4[%add3A, %add3A_202, %dma_start3A_213] : memref<32x46x112xi32, #tpu.memory_space<hbm>> -> memref<1x1x112xi32, #tpu.memory_space<hbm>>
        %dma_start3A_215 = tpu.memref_squeeze %dma_start3A_214 : memref<1x1x112xi32, #tpu.memory_space<hbm>> -> memref<112xi32, #tpu.memory_space<hbm>>
        tpu.enqueue_dma source(%dma_start3A_215 : memref<112xi32, #tpu.memory_space<hbm>>) target(%dma_start3A_212 : memref<112xi32, #tpu.memory_space<vmem>>) target_semaphore(%arg19 : memref<!tpu.dma_semaphore, #tpu.memory_space<semaphore_mem>>)
        %dma_start3A_216 = arith.constant 1 : i32
        %dma_start3A_217 = arith.constant 0 : i32
        %dma_start3A_218 = tpu.memref_slice %arg9[%dma_start3A_216, %dma_start3A_217] : memref<2x112xi32, #tpu.memory_space<vmem>> -> memref<1x112xi32, #tpu.memory_space<vmem>>
        %dma_start3A_219 = tpu.memref_squeeze %dma_start3A_218 : memref<1x112xi32, #tpu.memory_space<vmem>> -> memref<112xi32, #tpu.memory_space<vmem>>
        %dma_start3A_220 = arith.constant 0 : i32
        %dma_start3A_221 = tpu.memref_slice %arg5[%add3A, %add3A_202, %dma_start3A_220] : memref<32x46x112xi32, #tpu.memory_space<hbm>> -> memref<1x1x112xi32, #tpu.memory_space<hbm>>
        %dma_start3A_222 = tpu.memref_squeeze %dma_start3A_221 : memref<1x1x112xi32, #tpu.memory_space<hbm>> -> memref<112xi32, #tpu.memory_space<hbm>>
        %dma_start3A_223 = arith.constant 0 : i32
        %dma_start3A_224 = tpu.memref_slice %arg9[%dma_start3A_216, %dma_start3A_223] : memref<2x112xi32, #tpu.memory_space<vmem>> -> memref<1x112xi32, #tpu.memory_space<vmem>>
        %dma_start3A_225 = tpu.memref_squeeze %dma_start3A_224 : memref<1x112xi32, #tpu.memory_space<vmem>> -> memref<112xi32, #tpu.memory_space<vmem>>
        %dma_start3A_226 = arith.constant 0 : i32
        %dma_start3A_227 = tpu.memref_slice %arg5[%add3A, %add3A_202, %dma_start3A_226] : memref<32x46x112xi32, #tpu.memory_space<hbm>> -> memref<1x1x112xi32, #tpu.memory_space<hbm>>
        %dma_start3A_228 = tpu.memref_squeeze %dma_start3A_227 : memref<1x1x112xi32, #tpu.memory_space<hbm>> -> memref<112xi32, #tpu.memory_space<hbm>>
        tpu.enqueue_dma source(%dma_start3A_228 : memref<112xi32, #tpu.memory_space<hbm>>) target(%dma_start3A_225 : memref<112xi32, #tpu.memory_space<vmem>>) target_semaphore(%arg19 : memref<!tpu.dma_semaphore, #tpu.memory_space<semaphore_mem>>)
      } else {
      }
      %scan3A_200 = arith.constant 0 : i32
      scf.yield %scan3A_200 : i32
    }
    %scan3A_109 = arith.constant 23 : i32
    %barrier3A_110 = arith.constant 0 : index
    tpu.barrier barrier_id(%barrier3A_110)
    %mul3A_111 = arith.constant 626 : i32
    %mul3A_112 = arith.muli %arg1, %mul3A_111 : i32
    %mul3A_113 = arith.constant 626 : i32
    %mul3A_114 = arith.muli %arg1, %mul3A_113 : i32
    "tpu.region"() ({
      %run_scoped3A = tpu.sem_alloc : memref<!tpu.dma_semaphore, #tpu.memory_space<semaphore_mem>>
      %dma_start3A_115 = arith.constant 0 : i32
      %dma_start3A_116 = arith.constant 0 : i32
      %dma_start3A_117 = tpu.memref_slice %arg7[%arg0, %dma_start3A_115, %dma_start3A_116] : memref<2x10016x144xf32, #tpu.memory_space<hbm>> -> memref<1x10016x144xf32, #tpu.memory_space<hbm>>
      %dma_start3A_118 = tpu.memref_squeeze %dma_start3A_117 : memref<1x10016x144xf32, #tpu.memory_space<hbm>> -> memref<10016x144xf32, #tpu.memory_space<hbm>>
      %dma_start3A_119 = arith.constant 0 : i32
      %dma_start3A_120 = tpu.memref_slice %dma_start3A_118[%mul3A_114, %dma_start3A_119] : memref<10016x144xf32, #tpu.memory_space<hbm>> -> memref<626x144xf32, #tpu.memory_space<hbm>>
      %dma_start3A_121 = arith.constant 0 : i32
      %dma_start3A_122 = tpu.memref_slice %arg15[%mul3A_112, %dma_start3A_121] : memref<10016x144xf32, #tpu.memory_space<vmem_shared>> -> memref<626x144xf32, #tpu.memory_space<vmem_shared>>
      tpu.enqueue_dma source(%dma_start3A_122 : memref<626x144xf32, #tpu.memory_space<vmem_shared>>) target(%dma_start3A_120 : memref<626x144xf32, #tpu.memory_space<hbm>>) target_semaphore(%run_scoped3A : memref<!tpu.dma_semaphore, #tpu.memory_space<semaphore_mem>>)
      %dma_wait3A_123 = arith.constant 0 : i32
      %dma_wait3A_124 = arith.constant 0 : i32
      %dma_wait3A_125 = tpu.memref_slice %arg7[%arg0, %dma_wait3A_123, %dma_wait3A_124] : memref<2x10016x144xf32, #tpu.memory_space<hbm>> -> memref<1x10016x144xf32, #tpu.memory_space<hbm>>
      %dma_wait3A_126 = tpu.memref_squeeze %dma_wait3A_125 : memref<1x10016x144xf32, #tpu.memory_space<hbm>> -> memref<10016x144xf32, #tpu.memory_space<hbm>>
      %dma_wait3A_127 = arith.constant 0 : i32
      %dma_wait3A_128 = tpu.memref_slice %dma_wait3A_126[%mul3A_114, %dma_wait3A_127] : memref<10016x144xf32, #tpu.memory_space<hbm>> -> memref<626x144xf32, #tpu.memory_space<hbm>>
      %dma_wait3A_129 = arith.constant 0 : i32
      %dma_wait3A_130 = tpu.memref_slice %arg15[%mul3A_112, %dma_wait3A_129] : memref<10016x144xf32, #tpu.memory_space<vmem_shared>> -> memref<626x144xf32, #tpu.memory_space<vmem_shared>>
      tpu.wait_dma2 semaphore(%run_scoped3A : memref<!tpu.dma_semaphore, #tpu.memory_space<semaphore_mem>>) src(%dma_wait3A_130 : memref<626x144xf32, #tpu.memory_space<vmem_shared>>) dst(%dma_wait3A_128 : memref<626x144xf32, #tpu.memory_space<hbm>>)
      tpu.yield
    }) : () -> ()
    return
  }
}

module attributes {stable_mosaic.version = 14 : i64} {
  func.func @_linear_kernel(%arg0: i32, %arg1: memref<400x128xf32, #tpu.memory_space<vmem>>, %arg2: memref<128x160xf32, #tpu.memory_space<vmem>>, %arg3: memref<1x160xf32, #tpu.memory_space<vmem>>, %arg4: memref<400x160xbf16, #tpu.memory_space<vmem>>) attributes {dimension_semantics = [#tpu.dimension_semantics<arbitrary>], iteration_bounds = array<i64: 25>, scalar_prefetch = 0 : i64, scratch_operands = 0 : i64, tpu.core_type = #tpu.core_type<tc>, window_params = [{transform_indices = @transform_0, window_bounds = array<i64: 400, 128>}, {pipeline_mode = #tpu.pipeline_mode<synchronous>, transform_indices = @transform_1, window_bounds = array<i64: 128, 160>}, {pipeline_mode = #tpu.pipeline_mode<synchronous>, transform_indices = @transform_2, window_bounds = array<i64: 1, 160>}, {transform_indices = @transform_3, window_bounds = array<i64: 400, 160>}]} {
    %get3A = arith.constant 0 : index
    %get3A_0 = arith.constant 0 : index
    %get3A_1 = vector.load %arg1[%get3A, %get3A_0] : memref<400x128xf32, #tpu.memory_space<vmem>>, vector<400x128xf32>
    %get3A_2 = arith.constant 0 : index
    %get3A_3 = arith.constant 0 : index
    %get3A_4 = vector.load %arg2[%get3A_2, %get3A_3] : memref<128x160xf32, #tpu.memory_space<vmem>>, vector<128x160xf32>
    %dot_general3A = arith.constant dense<0.000000e+00> : vector<400x160xf32>
    %dot_general3A_5 = tpu.matmul %get3A_1, %get3A_4, %dot_general3A {dimension_numbers = #tpu.dot_dimension_numbers<[1], [0], [0], [1], [0, 0, 1, 1], [], []>, transpose_lhs_hint = false} : vector<400x128xf32>, vector<128x160xf32>, vector<400x160xf32> -> vector<400x160xf32>
    %get3A_6 = arith.constant 0 : index
    %get3A_7 = arith.constant 0 : index
    %get3A_8 = vector.load %arg3[%get3A_6, %get3A_7] : memref<1x160xf32, #tpu.memory_space<vmem>>, vector<1x160xf32>
    %add3A = vector.broadcast %get3A_8 : vector<1x160xf32> to vector<400x160xf32>
    %add3A_9 = arith.addf %dot_general3A_5, %add3A : vector<400x160xf32>
    %convert_element_type3A = arith.truncf %add3A_9 : vector<400x160xf32> to vector<400x160xbf16>
    %swap3A = arith.constant 0 : index
    %swap3A_10 = arith.constant 0 : index
    %swap3A_11 = vector.load %arg4[%swap3A, %swap3A_10] : memref<400x160xbf16, #tpu.memory_space<vmem>>, vector<400x160xbf16>
    tpu.vector_store %arg4[%swap3A, %swap3A_10], %convert_element_type3A {strides = array<i32>} : memref<400x160xbf16, #tpu.memory_space<vmem>>, vector<400x160xbf16>,
    return
  }
  func.func @transform_0(%arg0: i32) -> (i32, i32) {
    %c0_i32 = arith.constant 0 : i32
    %c0_i32_0 = arith.constant 0 : i32
    return %arg0, %c0_i32 : i32, i32
  }
  func.func @transform_1(%arg0: i32) -> (i32, i32) {
    %c0_i32 = arith.constant 0 : i32
    %c0_i32_0 = arith.constant 0 : i32
    %c0_i32_1 = arith.constant 0 : i32
    return %c0_i32, %c0_i32_0 : i32, i32
  }
  func.func @transform_2(%arg0: i32) -> (i32, i32) {
    %c0_i32 = arith.constant 0 : i32
    %c0_i32_0 = arith.constant 0 : i32
    %c0_i32_1 = arith.constant 0 : i32
    return %c0_i32, %c0_i32_0 : i32, i32
  }
  func.func @transform_3(%arg0: i32) -> (i32, i32) {
    %c0_i32 = arith.constant 0 : i32
    %c0_i32_0 = arith.constant 0 : i32
    return %arg0, %c0_i32 : i32, i32
  }
}

module attributes {stable_mosaic.version = 14 : i64} {
  func.func @_linear_kernel(%arg0: i32, %arg1: memref<400x128xf32, #tpu.memory_space<vmem>>, %arg2: memref<128x16xf32, #tpu.memory_space<vmem>>, %arg3: memref<1x16xf32, #tpu.memory_space<vmem>>, %arg4: memref<400x16xf32, #tpu.memory_space<vmem>>) attributes {dimension_semantics = [#tpu.dimension_semantics<arbitrary>], iteration_bounds = array<i64: 25>, scalar_prefetch = 0 : i64, scratch_operands = 0 : i64, tpu.core_type = #tpu.core_type<tc>, window_params = [{transform_indices = @transform_0, window_bounds = array<i64: 400, 128>}, {pipeline_mode = #tpu.pipeline_mode<synchronous>, transform_indices = @transform_1, window_bounds = array<i64: 128, 16>}, {pipeline_mode = #tpu.pipeline_mode<synchronous>, transform_indices = @transform_2, window_bounds = array<i64: 1, 16>}, {transform_indices = @transform_3, window_bounds = array<i64: 400, 16>}]} {
    %get3A = arith.constant 0 : index
    %get3A_0 = arith.constant 0 : index
    %get3A_1 = vector.load %arg1[%get3A, %get3A_0] : memref<400x128xf32, #tpu.memory_space<vmem>>, vector<400x128xf32>
    %get3A_2 = arith.constant 0 : index
    %get3A_3 = arith.constant 0 : index
    %get3A_4 = vector.load %arg2[%get3A_2, %get3A_3] : memref<128x16xf32, #tpu.memory_space<vmem>>, vector<128x16xf32>
    %dot_general3A = arith.constant dense<0.000000e+00> : vector<400x16xf32>
    %dot_general3A_5 = tpu.matmul %get3A_1, %get3A_4, %dot_general3A {dimension_numbers = #tpu.dot_dimension_numbers<[1], [0], [0], [1], [0, 0, 1, 1], [], []>, transpose_lhs_hint = false} : vector<400x128xf32>, vector<128x16xf32>, vector<400x16xf32> -> vector<400x16xf32>
    %get3A_6 = arith.constant 0 : index
    %get3A_7 = arith.constant 0 : index
    %get3A_8 = vector.load %arg3[%get3A_6, %get3A_7] : memref<1x16xf32, #tpu.memory_space<vmem>>, vector<1x16xf32>
    %add3A = vector.broadcast %get3A_8 : vector<1x16xf32> to vector<400x16xf32>
    %add3A_9 = arith.addf %dot_general3A_5, %add3A : vector<400x16xf32>
    %swap3A = arith.constant 0 : index
    %swap3A_10 = arith.constant 0 : index
    %swap3A_11 = vector.load %arg4[%swap3A, %swap3A_10] : memref<400x16xf32, #tpu.memory_space<vmem>>, vector<400x16xf32>
    tpu.vector_store %arg4[%swap3A, %swap3A_10], %add3A_9 {strides = array<i32>} : memref<400x16xf32, #tpu.memory_space<vmem>>, vector<400x16xf32>,
    return
  }
  func.func @transform_0(%arg0: i32) -> (i32, i32) {
    %c0_i32 = arith.constant 0 : i32
    %c0_i32_0 = arith.constant 0 : i32
    return %arg0, %c0_i32 : i32, i32
  }
  func.func @transform_1(%arg0: i32) -> (i32, i32) {
    %c0_i32 = arith.constant 0 : i32
    %c0_i32_0 = arith.constant 0 : i32
    %c0_i32_1 = arith.constant 0 : i32
    return %c0_i32, %c0_i32_0 : i32, i32
  }
  func.func @transform_2(%arg0: i32) -> (i32, i32) {
    %c0_i32 = arith.constant 0 : i32
    %c0_i32_0 = arith.constant 0 : i32
    %c0_i32_1 = arith.constant 0 : i32
    return %c0_i32, %c0_i32_0 : i32, i32
  }
  func.func @transform_3(%arg0: i32) -> (i32, i32) {
    %c0_i32 = arith.constant 0 : i32
    %c0_i32_0 = arith.constant 0 : i32
    return %arg0, %c0_i32 : i32, i32
  }
}

module attributes {stable_mosaic.version = 14 : i64} {
  func.func @_post_kernel(%arg0: i32, %arg1: memref<2x400x144xf32, #tpu.memory_space<vmem>>, %arg2: memref<144x128xf32, #tpu.memory_space<vmem>>, %arg3: memref<128x16xf32, #tpu.memory_space<vmem>>, %arg4: memref<1x16xf32, #tpu.memory_space<vmem>>, %arg5: memref<400x16xf32, #tpu.memory_space<vmem>>) attributes {dimension_semantics = [#tpu.dimension_semantics<arbitrary>], iteration_bounds = array<i64: 25>, scalar_prefetch = 0 : i64, scratch_operands = 0 : i64, tpu.core_type = #tpu.core_type<tc>, window_params = [{transform_indices = @transform_0, window_bounds = array<i64: 2, 400, 144>}, {pipeline_mode = #tpu.pipeline_mode<synchronous>, transform_indices = @transform_1, window_bounds = array<i64: 144, 128>}, {pipeline_mode = #tpu.pipeline_mode<synchronous>, transform_indices = @transform_2, window_bounds = array<i64: 128, 16>}, {pipeline_mode = #tpu.pipeline_mode<synchronous>, transform_indices = @transform_3, window_bounds = array<i64: 1, 16>}, {transform_indices = @transform_4, window_bounds = array<i64: 400, 16>}]} {
    %get3A = arith.constant 0 : index
    %get3A_0 = arith.constant 0 : index
    %get3A_1 = arith.constant 0 : index
    %get3A_2 = vector.load %arg1[%get3A, %get3A_0, %get3A_1] : memref<2x400x144xf32, #tpu.memory_space<vmem>>, vector<1x400x144xf32>
    %get3A_3 = vector.shape_cast %get3A_2 : vector<1x400x144xf32> to vector<400x144xf32>
    %get3A_4 = arith.constant 1 : index
    %get3A_5 = arith.constant 0 : index
    %get3A_6 = arith.constant 0 : index
    %get3A_7 = vector.load %arg1[%get3A_4, %get3A_5, %get3A_6] : memref<2x400x144xf32, #tpu.memory_space<vmem>>, vector<1x400x144xf32>
    %get3A_8 = vector.shape_cast %get3A_7 : vector<1x400x144xf32> to vector<400x144xf32>
    %add3A = arith.addf %get3A_3, %get3A_8 : vector<400x144xf32>
    %get3A_9 = arith.constant 0 : index
    %get3A_10 = arith.constant 0 : index
    %get3A_11 = vector.load %arg2[%get3A_9, %get3A_10] : memref<144x128xf32, #tpu.memory_space<vmem>>, vector<144x128xf32>
    %dot_general3A = arith.constant dense<0.000000e+00> : vector<400x128xf32>
    %dot_general3A_12 = tpu.matmul %add3A, %get3A_11, %dot_general3A {dimension_numbers = #tpu.dot_dimension_numbers<[1], [0], [0], [1], [0, 0, 1, 1], [], []>, transpose_lhs_hint = false} : vector<400x144xf32>, vector<144x128xf32>, vector<400x128xf32> -> vector<400x128xf32>
    %slice3A = vector.extract_strided_slice %add3A {offsets = [0, 0], sizes = [400, 128], strides = [1, 1]} : vector<400x144xf32> to vector<400x128xf32>
    %max3A = arith.constant 0.000000e+00 : f32
    %max3A_13 = vector.broadcast %max3A : f32 to vector<400x128xf32>
    %max3A_14 = arith.maximumf %slice3A, %max3A_13 : vector<400x128xf32>
    %add3A_15 = arith.constant 1.000000e-16 : f32
    %add3A_16 = vector.broadcast %add3A_15 : f32 to vector<400x128xf32>
    %add3A_17 = arith.addf %dot_general3A_12, %add3A_16 : vector<400x128xf32>
    %div3A = arith.divf %max3A_14, %add3A_17 : vector<400x128xf32>
    %get3A_18 = arith.constant 0 : index
    %get3A_19 = arith.constant 0 : index
    %get3A_20 = vector.load %arg3[%get3A_18, %get3A_19] : memref<128x16xf32, #tpu.memory_space<vmem>>, vector<128x16xf32>
    %dot_general3A_21 = arith.constant dense<0.000000e+00> : vector<400x16xf32>
    %dot_general3A_22 = tpu.matmul %div3A, %get3A_20, %dot_general3A_21 {dimension_numbers = #tpu.dot_dimension_numbers<[1], [0], [0], [1], [0, 0, 1, 1], [], []>, transpose_lhs_hint = false} : vector<400x128xf32>, vector<128x16xf32>, vector<400x16xf32> -> vector<400x16xf32>
    %get3A_23 = arith.constant 0 : index
    %get3A_24 = arith.constant 0 : index
    %get3A_25 = vector.load %arg4[%get3A_23, %get3A_24] : memref<1x16xf32, #tpu.memory_space<vmem>>, vector<1x16xf32>
    %add3A_26 = vector.broadcast %get3A_25 : vector<1x16xf32> to vector<400x16xf32>
    %add3A_27 = arith.addf %dot_general3A_22, %add3A_26 : vector<400x16xf32>
    %reduce_max3A = arith.constant dense<0xFF800000> : vector<400xf32>
    %reduce_max3A_28 = vector.multi_reduction <maximumf>, %add3A_27, %reduce_max3A [1] : vector<400x16xf32> to vector<400xf32>
    %broadcast_in_dim3A = vector.shape_cast %reduce_max3A_28 : vector<400xf32> to vector<400x1xf32>
    %sub3A = vector.broadcast %broadcast_in_dim3A : vector<400x1xf32> to vector<400x16xf32>
    %sub3A_29 = arith.subf %add3A_27, %sub3A : vector<400x16xf32>
    %exp3A = math.exp %sub3A_29 : vector<400x16xf32>
    %reduce_sum3A = arith.constant dense<0.000000e+00> : vector<400xf32>
    %reduce_sum3A_30 = vector.multi_reduction <add>, %exp3A, %reduce_sum3A [1] : vector<400x16xf32> to vector<400xf32>
    %broadcast_in_dim3A_31 = vector.shape_cast %reduce_sum3A_30 : vector<400xf32> to vector<400x1xf32>
    %div3A_32 = vector.broadcast %broadcast_in_dim3A_31 : vector<400x1xf32> to vector<400x16xf32>
    %div3A_33 = arith.divf %exp3A, %div3A_32 : vector<400x16xf32>
    %swap3A = arith.constant 0 : index
    %swap3A_34 = arith.constant 0 : index
    %swap3A_35 = vector.load %arg5[%swap3A, %swap3A_34] : memref<400x16xf32, #tpu.memory_space<vmem>>, vector<400x16xf32>
    tpu.vector_store %arg5[%swap3A, %swap3A_34], %div3A_33 {strides = array<i32>} : memref<400x16xf32, #tpu.memory_space<vmem>>, vector<400x16xf32>,
    return
  }
  func.func @transform_0(%arg0: i32) -> (i32, i32, i32) {
    %c0_i32 = arith.constant 0 : i32
    %c0_i32_0 = arith.constant 0 : i32
    %c0_i32_1 = arith.constant 0 : i32
    return %c0_i32, %arg0, %c0_i32_0 : i32, i32, i32
  }
  func.func @transform_1(%arg0: i32) -> (i32, i32) {
    %c0_i32 = arith.constant 0 : i32
    %c0_i32_0 = arith.constant 0 : i32
    %c0_i32_1 = arith.constant 0 : i32
    return %c0_i32, %c0_i32_0 : i32, i32
  }
  func.func @transform_2(%arg0: i32) -> (i32, i32) {
    %c0_i32 = arith.constant 0 : i32
    %c0_i32_0 = arith.constant 0 : i32
    %c0_i32_1 = arith.constant 0 : i32
    return %c0_i32, %c0_i32_0 : i32, i32
  }
  func.func @transform_3(%arg0: i32) -> (i32, i32) {
    %c0_i32 = arith.constant 0 : i32
    %c0_i32_0 = arith.constant 0 : i32
    %c0_i32_1 = arith.constant 0 : i32
    return %c0_i32, %c0_i32_0 : i32, i32
  }
  func.func @transform_4(%arg0: i32) -> (i32, i32) {
    %c0_i32 = arith.constant 0 : i32
    %c0_i32_0 = arith.constant 0 : i32
    return %arg0, %c0_i32 : i32, i32
  }
}

</mosaic_0001>

<sc_bundles>
// kernel: kernel.6.cloned.1.call-start
scs
__scs_entry_jumppad:
0x0: {  	(pc) =	sbr.rel $0x88, $3  }
0x1: {  	(tag) =	ssettag $0x0;
	lr =	simm.s32 $0x1  }
0x2: {  	[smem:$0x3F96] =	sst lr;
	_ =	strace $0xD0000000  }
0x3: {  	_ = 	snop  }
0x4: {  	_ = 	snop  }
0x5: {  	_ = 	snop  }
0x6: {  	_ = 	snop  }
0x7: {  	_ = 	snop  }
__scs_overlays_trampoline_lowered:
0x8: {  	[smem:$0x3FA5] =	sst s0  }
0x9: {  	[smem:$0x3FA6] =	sst s1  }
0xa: {  	[smem:$0x3FA7] =	sst s2  }
0xb: {  	[smem:$0x3FA8] =	sst s3  }
0xc: {  	[smem:$0x3FA9] =	sst s4  }
0xd: {  	[smem:$0x3FAA] =	sst s5  }
0xe: {  	[smem:$0x3FAB] =	sst s6  }
0xf: {  	[smem:$0x3FAC] =	sst s7  }
0x10: {  	[smem:$0x3FAD] =	sst s8  }
0x11: {  	[smem:$0x3FAE] =	sst s9;
	s0 =	simm.s32 @!p0 $0x0  }
0x12: {  	s1 =	sld [smem:$0x3F94];
	s0 =	simm.s32 @p0 $0x1  }
0x13: {  	[smem:$0x3FAF] =	sst s0;
	s0 =	simm.s32 @!p1 $0x0  }
0x14: {  	s2 =	sld [smem:$0x3F93];
	s0 =	simm.s32 @p1 $0x1  }
0x15: {  	[smem:$0x3FB0] =	sst s0;
	s0 =	simm.s32 @!p2 $0x0  }
0x16: {  	s3 =	sld [smem:$0x3FDB];
	s0 =	simm.s32 @p2 $0x1  }
0x17: {  	s4 =	simm.s32 $0x1BF5;
	[smem:$0x3FB2] =	sst s0  }
0x18: {  	s0 =	sld [smem:$0x3F95];
	_ =	swait.ge [sflag:s4], $0x0  }
0x19: {  	s7 =	sld [smem:$0x3F96]  }
0x1a: {  	s8 =	sadd.s32 $0xFFFFE003, lr  }
0x1b: {  	s9 =	sadd.s32 $0xFFFFFEF7, lr;
	s5 =	simm.s32 $0xFFFFFFFF;
	p2 =	slt.u32 s8, $0xFFFFF086  }
0x1c: {  	p1 =	slt.u32 s9, $0xF7A;
	s5 =	simm.s32 @!p2 $0x0  }
0x1d: {  	s5 =	simm.s32 @p1 $0x1;
	p0 =	seq.s32 s7, s2  }
0x1e: {  	s7 =	smul.u32 @!p0 $0xF7A, s2;
	p2 =	seq.s32 @!p0 s5, $0x0  }
0x1f: {  	s9 =	smul.u32 $0xF7A, s1;
	s8 =	simm.s32 @!p0 $0x1BF5;
	p2 =	por !p2, p0  }
0x20: {  	[sflag:s8] =	ssyncset.s32 @!p0 $0xFFFFF086;
	s6 =	sadd.s32 @!p0 s3, s7;
	s7 =	simm.s32 @!p0 $0x108  }
0x21: {  	s3 =	sadd.s32 s3, s9;
	s6 =	sadd.s32 @!p0 $0x88, s6;
	s7 =	simm.s32 @p2 $0x1082  }
0x22: {  	[simem:s7], [sflag:s8] =	dma.local @!p0 [hbm:s6], $0xF7A  }
0x23: {  	s9 =	sor.u32 $0xD0000000, s2;
	s6 =	simm.s32 $0x108;
	_ =	swait.ge @!p0 [sflag:s8], $0x0  }
0x24: {  	s3 =	sadd.s32 $0x88, s3;
	s6 =	simm.s32 @!p1 $0x1082;
	[sflag:s4] =	ssyncset.s32 $0xFFFFF086  }
0x25: {  	[simem:s6], [sflag:s4] =	dma.local [hbm:s3], $0xF7A  }
0x26: {  	[smem:$0x3F96] =	sst s1;
	(tag) =	ssettag s2;
	_ =	strace s9  }
0x27: {  	s1 =	sld [smem:$0x3FA6]  }
0x28: {  	s2 =	sld [smem:$0x3FA7]  }
0x29: {  	s4 =	sld [smem:$0x3FA9]  }
0x2a: {  	p0 =	seq.s32 s5, $0x0;
	s5 =	sld [smem:$0x3FAA]  }
0x2b: {  	s6 =	sld [smem:$0x3FAB]  }
0x2c: {  	s7 =	sld [smem:$0x3FAC]  }
0x2d: {  	s3 =	simm.s32 $0x108;
	s8 =	sld [smem:$0x3FAD]  }
0x2e: {  	s3 =	simm.s32 @!p0 $0x1082;
	s9 =	sld [smem:$0x3FAE]  }
0x2f: {  	lr =	sadd.s32 s0, s3;
	s0 =	sld [smem:$0x3FA5]  }
0x30: {  	s3 =	sld [smem:$0x3FA8]  }
0x31: {  	[smem:$0x3FB1] =	sst s10  }
0x32: {  	s10 =	sld [smem:$0x3FAF];
	_ =	sdelay $0x3  }
0x33: {  	p0 =	seq.s32 s10, $0x1;
	s10 =	sld [smem:$0x3FB1];
	_ =	sdelay $0x3  }
0x34: {  	[smem:$0x3FB1] =	sst s10  }
0x35: {  	s10 =	sld [smem:$0x3FB0];
	_ =	sdelay $0x3  }
0x36: {  	p1 =	seq.s32 s10, $0x1;
	s10 =	sld [smem:$0x3FB1];
	_ =	sdelay $0x3  }
0x37: {  	[smem:$0x3FB1] =	sst s10  }
0x38: {  	s10 =	sld [smem:$0x3FB2]  }
0x39: {  	_ = 	snop;
	(pc) =	sbr.ind lr, $3  }
0x3a: {  	_ = 	snop  }
0x3b: {  	_ = 	snop  }
0x3c: {  	p2 =	seq.s32 s10, $0x1;
	s10 =	sld [smem:$0x3FB1]  }
0x3d: {  	_ =	shalt  }
0x3e: {  	_ =	shalt  }
0x3f: {  	_ =	shalt  }
0x40: {  	_ =	shalt  }
0x41: {  	_ =	shalt  }
0x42: {  	_ =	shalt  }
0x43: {  	_ =	shalt  }
0x44: {  	_ =	shalt  }
0x45: {  	_ =	shalt  }
0x46: {  	_ =	shalt  }
0x47: {  	_ =	shalt  }
0x48: {  	_ =	shalt  }
0x49: {  	_ =	shalt  }
0x4a: {  	_ =	shalt  }
0x4b: {  	_ =	shalt  }
0x4c: {  	_ =	shalt  }
0x4d: {  	_ =	shalt  }
0x4e: {  	_ =	shalt  }
0x4f: {  	_ =	shalt  }
0x50: {  	_ =	shalt  }
0x51: {  	_ =	shalt  }
0x52: {  	_ =	shalt  }
0x53: {  	_ =	shalt  }
0x54: {  	_ =	shalt  }
0x55: {  	_ =	shalt  }
0x56: {  	_ =	shalt  }
0x57: {  	_ =	shalt  }
0x58: {  	_ =	shalt  }
0x59: {  	_ =	shalt  }
0x5a: {  	_ =	shalt  }
0x5b: {  	_ =	shalt  }
0x5c: {  	_ =	shalt  }
0x5d: {  	_ =	shalt  }
0x5e: {  	_ =	shalt  }
0x5f: {  	_ =	shalt  }
0x60: {  	_ =	shalt  }
0x61: {  	_ =	shalt  }
0x62: {  	_ =	shalt  }
0x63: {  	_ =	shalt  }
0x64: {  	_ =	shalt  }
0x65: {  	_ =	shalt  }
0x66: {  	_ =	shalt  }
0x67: {  	_ =	shalt  }
0x68: {  	_ =	shalt  }
0x69: {  	_ =	shalt  }
0x6a: {  	_ =	shalt  }
0x6b: {  	_ =	shalt  }
0x6c: {  	_ =	shalt  }
0x6d: {  	_ =	shalt  }
0x6e: {  	_ =	shalt  }
0x6f: {  	_ =	shalt  }
0x70: {  	_ =	shalt  }
0x71: {  	_ =	shalt  }
0x72: {  	_ =	shalt  }
0x73: {  	_ =	shalt  }
0x74: {  	_ =	shalt  }
0x75: {  	_ =	shalt  }
0x76: {  	_ =	shalt  }
0x77: {  	_ =	shalt  }
0x78: {  	_ =	shalt  }
0x79: {  	_ =	shalt  }
0x7a: {  	_ =	shalt  }
0x7b: {  	_ =	shalt  }
0x7c: {  	_ =	shalt  }
0x7d: {  	_ =	shalt  }
0x7e: {  	_ =	shalt  }
0x7f: {  	_ =	shalt  }
0x80: {  	_ =	shalt  }
0x81: {  	_ =	shalt  }
0x82: {  	_ =	shalt  }
0x83: {  	_ =	shalt  }
0x84: {  	_ =	shalt  }
0x85: {  	_ =	shalt  }
0x86: {  	_ =	shalt  }
0x87: {  	_ =	shalt  }
.Lfunc_end0:
.L_simem_size_0:
called_computation_lowered:
.L_overlay_start_0:
0x88: {  	s2 =	sld [smem:$0x3FD9]  }
0x89: {  	s3 =	sld [smem:$0x3FFE];
	_ =	sdelay $0x1  }
0x8a: {  	s1 =	srdreg.scid  }
0x8b: {  	s0 =	sand.u32 $0x1, s1  }
0x8c: {  	s17 =	sshll.u32 s0, $0xA;
	s2 =	sadd.s32 s3, s2  }
0x8d: {  	s2 =	sadd.s32 s2, s17  }
0x8e: {  	[smem:$0x3FBD] =	sst s2  }
0x8f: {  	_ = 	snop  }
0x90: {  	s2 =	sld [smem:$0x3FD0];
	(tm) =	ssettm $0x1  }
0x91: {  	s18 =	sld [smem:$0x3FFB];
	_ =	sdelay $0x3  }
0x92: {  	_ =	strace s18  }
0x93: {  	s3 =	sld [smem:$0x3FFC];
	_ =	sdelay $0x3  }
0x94: {  	_ =	strace s3  }
0x95: {  	s3 =	sld [smem:$0x3FFD];
	_ =	sdelay $0x3  }
0x96: {  	_ =	strace s3  }
0x97: {  	_ =	strace $0x8FFFFFFF  }
0x98: {  	s19 =	sld [smem:$0x3FDB];
	_ =	sdelay $0x1  }
0x99: {  	s4 =	simm.s32 $_scs_section_size  }
0x9a: {  	s5 =	simm.s32 $_size__tile_overlayer_lowered;
	s6 =	simm.s32 $_tile_overlayer_lowered  }
0x9b: {  	s22 =	simm.s32 $0x1BFF;
	s21 =	sshll.u32 s6, $0x1;
	s3 =	sadd.s32 s4, s19  }
0x9c: {  	s7 =	simm.s32 $0x0;
	s20 =	sshll.u32 s5, $0x1;
	s5 =	sadd.s32 s21, s3  }
0x9d: {  	[timem:s7], [sflag:s22] =	dma.local [hbm:s5], s20  }
0x9e: {  	_ =	swait.ge [sflag:s22], s20  }
0x9f: {  	s4 =	ssub.s32 $0x0, s20;
	[sflag:s22] =	ssyncset.done $0x0  }
0xa0: {  	[sflag:s22] =	ssyncadd.s32 s4;
	_ =	sdelay $0x1  }
0xa1: {  	s23 =	simm.s32 $0x1B8B  }
0xa2: {  	_ =	swait.ge [sflag:s23], $0x1  }
0xa3: {  	[sflag:s23] =	ssyncset.done $0x0  }
0xa4: {  	s25 =	simm.s32 $0x1B8E;
	s24 =	sld [smem:$0x3FFE];
	[sflag:s23] =	ssyncadd.s32 $0xFFFFFFFF  }
0xa5: {  	s26 =	simm.s32 $execute0_lowered;
	[smem:$0x3FD2] =	sst s25  }
0xa6: {  	s5 =	sshll.u32 s26, $0x1;
	_ =	strace $0x80000046;
	[dreg:$0x1] =	wrdreg $0xFFFFFFFF  }
0xa7: {  	s28 =	simm.s32 $_size_execute0_lowered;
	s3 =	sadd.s32 s3, s5;
	[dreg:$0x0] =	wrdreg $0x0  }
0xa8: {  	s5 =	sshll.u32 s28, $0x1;
	[dreg:$0x2] =	wrdreg s3  }
0xa9: {  	[dreg:$0x3] =	wrdreg s5  }
0xaa: {  	[dreg:$0x4] =	wrdreg $0xC0  }
0xab: {  	_ =	task [dreg:s7], $0x5FFFF  }
0xac: {  	[dreg:$0x1] =	wrdreg $0xFFFFFFFF  }
0xad: {  	[dreg:$0x0] =	wrdreg $0x60  }
0xae: {  	[dreg:$0x2] =	wrdreg s24  }
0xaf: {  	[dreg:$0x3] =	wrdreg s2  }
0xb0: {  	[dreg:$0x4] =	wrdreg $0x94C00  }
0xb1: {  	[dreg:$0x5] =	wrdreg $0x9  }
0xb2: {  	_ =	task.clear_ibuf [dreg:s7], $0x6FFFF;
	_ =	strace $0x90000046  }
0xb3: {  	s29 =	simm.s32 $0x9;
	_ =	strace $0x80000048  }
0xb4: {  	_ =	swait.ge [sflag:s29], $0x1  }
0xb5: {  	[sflag:s29] =	ssyncadd.s32 $0xFFFFFFFF  }
0xb6: {  	_ =	strace $0x90000048  }
0xb7: {  	_ =	sfence  }
0xb8: {  	s30 =	sld [smem:$0x0];
	_ =	sdelay $0x2  }
0xb9: {  	s31 =	sshll.u32 s1, $0xD;
	s1 =	sshrl.u32 s1, $0x2  }
0xba: {  	s3 =	sand.u32 $0x4000, s31;
	s1 =	sadd.s32 s1, s30  }
0xbb: {  	s0 =	sor.u32 s3, s0;
	s1 =	sshll.u32 s1, $0x11  }
0xbc: {  	s0 =	sor.u32 s1, s0  }
0xbd: {  	s0 =	sadd.s32 $0x8F2B, s0  }
0xbe: {  	[sflag:s0] =	ssyncadd.remote.s32 $0x1  }
0xbf: {  	_ =	sfence.sel $0xFFFF  }
0xc0: {  	[dreg:$0x0] =	wrdreg $0xFFFFFFFF;
	(pc) =	sbr.abs _section_cstart, $3  }
0xc1: {  	[dreg:$0x1] =	wrdreg $0xFFFFFFFF  }
0xc2: {  	_ =	task.clear_ibuf [dreg:s7], $0x2FFFF;
	_ =	strace $0x9FFFFFFF  }
0xc3: {  	(tm) =	ssettm $0x7FFFFFFF  }
tec
execute0_lowered:
.L_overlay_start_1:
0x0: {  	(tag) =	ssettag $0x1  }
0x1: {  	s0 =	rddreg [dreg:$0x0]  }
0x2: {  	s1 =	rddreg [dreg:$0x1]  }
0x3: {  	s2 =	rddreg [dreg:$0x2];
	s4 =	simm.s32 $0x0;
	s5 =	stileid.u32  }
0x4: {  	s3 =	srdreg.scid;
	s17 =	simm.s32 $0x70;
	s18 =	simm.s32 $0xE0  }
0x5: {  	s19 =	simm.s32 $0x150;
	s28 =	simm.s32 $0x4EC0;
	s29 =	simm.s32 $0x1  }
0x6: {  	s30 =	simm.s32 $0x55C0;
	s31 =	simm.s32 $0x2;
	[smem:$0x7FF] =	sst s4  }
0x7: {  	s8 =	smul.u32 $0x16020, s5;
	s3 =	sand.u32 $0x1, s3;
	s6 =	sshll.u32 s5, $0x1  }
0x8: {  	s5 =	sadd.s32 $0x1000, s0;
	_ =	strace $0x80000047;
	s9 =	smul.u32 $0x2C040, s3  }
0x9: {  	s7 =	sor.u32 s3, s6;
	s6 =	sadd.s32 $0x19800, s0;
	s3 =	ssub.s32 $0x2, s3  }
0xa: {  	s10 =	sshrl.u32 s8, $0x3;
	s11 =	smul.u32 $0x1420, s7;
	s7 =	sadd.s32 $0x1EA00, s0  }
0xb: {  	s22 =	sshrl.u32 s3, $0x1;
	s8 =	sadd.s32 s8, s2;
	s12 =	sadd.s32 s10, s0  }
0xc: {  	s0 =	sadd.s32 s9, s0;
	s3 =	ssub.s32 s3, s22;
	[dreg:$0x8] =	wrdreg s8  }
0xd: {  	s13 =	sshrl.u32 s11, $0x3;
	s26 =	sadd.s32 $0x23C00, s12;
	s14 =	sadd.s32 $0xE0, s11  }
0xe: {  	s0 =	sadd.s32 $0x4FE00, s0;
	s3 =	smax.u32 s3, $0x1;
	[dreg:$0x9] =	wrdreg s26  }
0xf: {  	s23 =	sadd.s32 s6, s13;
	s24 =	sadd.s32 $0xE, s13;
	[dreg:$0xa] =	wrdreg s3  }
.Ltmp0:
0x10: {  	s13 =	sadd.s32 s7, s13;
	[dreg:$0x4] =	wrdreg s23;
	(pc) =	sbr.rel .LBB2_1-.Ltmp0, $4  }
0x11: {  	s15 =	sadd.s32 $0x150, s11;
	s0 =	sadd.s32 s10, s0;
	[dreg:$0x5] =	wrdreg s13  }
0x12: {  	s26 =	simm.s32 $0x24C0;
	s25 =	sadd.s32 s6, s24;
	[dreg:$0xb] =	wrdreg s0  }
0x13: {  	s9 =	sadd.s32 s7, s24;
	s23 =	simm.s32 $0x5;
	[dreg:$0x6] =	wrdreg s25  }
0x14: {  	s0 =	simm.s32 $0x0;
	[dreg:$0x7] =	wrdreg s9;
	s25 =	simm.s32 $0x4  }
.LBB2_8:
0x15: {  	[bflag:$0x0] =	sbarrier.arrive $0xFFFF  }
0x16: {  	s3 =	rddreg [dreg:$0xb]  }
0x17: {  	s8 =	rddreg [dreg:$0xc]  }
0x18: {  	[hbm:s3], [sflag:s8] =	dma.local [spmem:s22], $0x2C04  }
0x19: {  	_ =	swait.ge [sflag:s23], $0x2C04  }
0x1a: {  	s0 =	sadd.s32 $0x1, s0;
	s24 =	rddreg [dreg:$0xa]  }
0x1b: {  	p0 =	sne.s32 s0, s24  }
.Ltmp1:
0x1c: {  	_ = 	snop;
	(pc) =	sbr.rel @!p0 .LBB2_9-.Ltmp1, $3  }
0x1d: {  	_ =	sdelay $0x1  }
0x1e: {  	[sflag:s23] =	ssyncset.done $0x0  }
0x1f: {  	[sflag:s23] =	ssyncadd.s32 $0xFFFFD3FC  }
.LBB2_1:
0x20: {  	s3 =	rddreg [dreg:$0x4]  }
0x21: {  	[tilespmem:s4], [sflag:$0x3] =	stream.linear.gather [hbm4b:s3+s4], $0x70, $0x38;
	[tilespmem:$0x1F4E0] =	vst v63  }
0x22: {  	s10 =	rddreg [dreg:$0x5]  }
0x23: {  	[tilespmem:s17], [sflag:$0x3] =	stream.linear.gather [hbm4b:s10+s4], $0x70, $0x38;
	[tilespmem:$0x1F4E0] =	vst v63  }
0x24: {  	s11 =	rddreg [dreg:$0x6]  }
0x25: {  	[tilespmem:s18], [sflag:$0x4] =	stream.linear.gather [hbm4b:s11+s4], $0x70, $0x38;
	[tilespmem:$0x1F4E0] =	vst v63  }
0x26: {  	s12 =	rddreg [dreg:$0x7];
	s13 =	simm.s32 $0x3  }
0x27: {  	[tilespmem:s19], [sflag:$0x4] =	stream.linear.gather [hbm4b:s12+s4], $0x70, $0x38;
	[tilespmem:$0x1F4E0] =	vst v63  }
0x28: {  	_ =	swait.ge [sflag:s13], $0x70  }
0x29: {  	s21 =	stileid.u32;
	[sflag:s13] =	ssyncset.done $0x0  }
0x2a: {  	s3 =	sshll.u32 s21, $0x6;
	[sflag:s13] =	ssyncadd.s32 $0xFFFFFF90  }
0x2b: {  	s8 =	sor.u32 $0x1C05, s3;
	_ =	swait.ge [sflag:s13], $0x70  }
0x2c: {  	[dreg:$0xc] =	wrdreg s8;
	[sflag:s13] =	ssyncset.done $0x0  }
0x2d: {  	s16 =	simm.s32 $0x1C0;
	s22 =	rddreg [dreg:$0x8];
	[sflag:s13] =	ssyncadd.s32 $0xFFFFFF90  }
0x2e: {  	[tilespmem:s16], [sflag:$0x1] =	stream.indirect.gather [hbm4b:s5+s17], $0x50, s4, s17, $0xb8;
	[tilespmem:$0x1F4E0] =	vst v63  }
0x2f: {  	s20 =	simm.s32 $0x47C0;
	s24 =	rddreg [dreg:$0x9];
	s22 =	sshrl.u32 s22, $0x3  }
0x30: {  	[tilespmem:s20], [sflag:$0x1] =	stream.indirect.gather [hbm4b:s1+s17], $0x10, s17, s17, $0xb8;
	[tilespmem:$0x1F4E0] =	vst v63  }
0x31: {  	[spmem:s22], [sflag:s8] =	dma.local [hbm:s24], $0x2C04  }
0x32: {  	_ =	swait.ge [sflag:s23], $0x2C04  }
0x33: {  	[sflag:s23] =	ssyncset.done $0x0  }
0x34: {  	[sflag:s23] =	ssyncadd.s32 $0xFFFFD3FC  }
0x35: {  	s3 =	simm.s32 $0x0;
	[bflag:$0x0] =	sbarrier.arrive $0xFFFF  }
.LBB2_2:
0x36: {  	_ =	swait.ge [sflag:s25], $0x70  }
0x37: {  	[sflag:s25] =	ssyncset.done $0x0  }
0x38: {  	[sflag:s25] =	ssyncadd.s32 $0xFFFFFF90  }
0x39: {  	_ =	swait.ge [sflag:s25], $0x70  }
0x3a: {  	[sflag:s25] =	ssyncset.done $0x0  }
0x3b: {  	[sflag:s25] =	ssyncadd.s32 $0xFFFFFF90  }
0x3c: {  	[tilespmem:s26], [sflag:$0x2] =	stream.indirect.gather [hbm4b:s5+s17], $0x50, s18, s17, $0xb8;
	[tilespmem:$0x1F4E0] =	vst v63  }
0x3d: {  	_ = 	snop  }
0x3e: {  	[tilespmem:s28], [sflag:$0x2] =	stream.indirect.gather [hbm4b:s1+s17], $0x10, s19, s17, $0xb8;
	[tilespmem:$0x1F4E0] =	vst v63  }
0x3f: {  	_ =	swait.ge [sflag:s29], $0x2300  }
0x40: {  	[sflag:s29] =	ssyncset.done $0x0  }
0x41: {  	[sflag:s29] =	ssyncadd.s32 $0xFFFFDD00  }
0x42: {  	_ =	swait.ge [sflag:s29], $0x700  }
0x43: {  	[sflag:s29] =	ssyncset.done $0x0  }
0x44: {  	s13 =	simm.s32 $0x210;
	[sflag:s29] =	ssyncadd.s32 $0xFFFFF900  }
0x45: {  	s8 =	simm.s32 $0x47D0;
	v0 =	vld [tilespmem:s13+$0x40]  }
0x46: {  	v1 =	vld [tilespmem:s8+$0x0];
	_ =	sdelay $0x1  }
0x47: {  	v2 =	vld [tilespmem:s13+$0xFFFFFFF0]  }
0x48: {  	v3 =	vld [tilespmem:s8+$0xFFFFFFF0]  }
0x49: {  	v0 =	vshll.u32 v0, $0x10  }
0x4a: {  	v0 =	vadd.f32 v0, v1;
	_ =	sdelay $0x1  }
0x4b: {  	v1 =	vshll.u32 v2, $0x10;
	v2 =	vmul.f32 $2.000000030e-01, v0  }
0x4c: {  	v1 =	vadd.f32 v1, v3;
	vm0 =	vge.f32 v0, $0.0e+00  }
0x4d: {  	v0 =	vsel vm0, v0, v2  }
0x4e: {  	v3 =	vmul.f32 $2.000000030e-01, v1;
	v0 =	vmul.f32 $1.442695020e+00, v0  }
0x4f: {  	vm9 =	vge.f32 v1, $0.0e+00  }
0x50: {  	v1 =	vsel vm9, v1, v3;
	(erf) = vpow2.f32 v0  }
0x51: {  	v0 =	vmul.f32 $1.442695020e+00, v1;
	_ =	sdelay $0x1  }
0x52: {  	s8 =	simm.s32 $0x2B0;
	(erf) = vpow2.f32 v0  }
0x53: {  	s9 =	simm.s32 $0x47F0;
	v0 =	vld [tilespmem:s8+$0x40]  }
0x54: {  	v1 =	vld [tilespmem:s9+$0x0]  }
0x55: {  	v2 =	vld [tilespmem:s8+$0xFFFFFFF0]  }
0x56: {  	v3 =	vld [tilespmem:s9+$0xFFFFFFF0];
	_ =	sdelay $0x1  }
0x57: {  	s9 =	simm.s32 $0x5650;
	v0 =	vshll.u32 v0, $0x10;
	v4 =	vpop (erf)  }
0x58: {  	v0 =	vadd.f32 v0, v1;
	[tilespmem:s9+$0x80] =	vst v4  }
0x59: {  	v2 =	vshll.u32 v2, $0x10;
	v1 =	vld [tilespmem:s13+$0x0]  }
0x5a: {  	v2 =	vadd.f32 v2, v3;
	v6 =	vmul.f32 $2.000000030e-01, v0;
	v5 =	vpop (erf)  }
0x5b: {  	vm10 =	vge.f32 v0, $0.0e+00;
	[tilespmem:s9+$0xFFFFFFF0] =	vst v5  }
0x5c: {  	v9 =	vmul.f32 $2.000000030e-01, v2;
	v0 =	vsel vm10, v0, v6;
	v3 =	vld [tilespmem:s13+$0xFFFFFFB0]  }
0x5d: {  	v6 =	vbroadcast v4, $0x0;
	v0 =	vmul.f32 $1.442695020e+00, v0  }
0x5e: {  	vm11 =	vge.f32 v2, $0.0e+00;
	v11 =	vbroadcast v4, $0x1;
	v10 =	vshll.u32 v1, $0x10  }
0x5f: {  	(erf) = vpow2.f32 v0;
	v0 =	vand.u32 $0xFFFF0000, v1;
	v6 =	vmul.f32 v10, v6  }
0x60: {  	v2 =	vsel vm11, v2, v9;
	v7 =	vbroadcast v5, $0x0;
	v0 =	vmul.f32 v0, v11  }
0x61: {  	v2 =	vmul.f32 $1.442695020e+00, v2;
	v8 =	vbroadcast v5, $0x1;
	v1 =	vshll.u32 v3, $0x10;
	[tilespmem:s9+$0x0] =	vst v6  }
0x62: {  	v3 =	vand.u32 $0xFFFF0000, v3;
	v1 =	vmul.f32 v1, v7;
	[tilespmem:s9+$0x10] =	vst v0  }
0x63: {  	(erf) = vpow2.f32 v2;
	v3 =	vmul.f32 v3, v8;
	v0 =	vld [tilespmem:s13+$0x10]  }
0x64: {  	s11 =	simm.s32 $0x350;
	[tilespmem:s9+$0xFFFFFF70] =	vst v1  }
0x65: {  	v9 =	vbroadcast v4, $0x6;
	v14 =	vbroadcast v4, $0x3;
	v8 =	vld [tilespmem:s11+$0x40];
	[tilespmem:s9+$0xFFFFFF80] =	vst v3  }
0x66: {  	s12 =	simm.s32 $0x4810;
	v21 =	vbroadcast v4, $0x4;
	v12 =	vbroadcast v5, $0x4;
	v6 =	vld [tilespmem:s13+$0xFFFFFFC0]  }
0x67: {  	v15 =	vbroadcast v5, $0x5;
	v11 =	vld [tilespmem:s12+$0x0];
	v1 =	vbroadcast v4, $0x2  }
0x68: {  	v13 =	vld [tilespmem:s11+$0xFFFFFFF0];
	v10 =	vbroadcast v5, $0x3;
	v7 =	vbroadcast v5, $0x2;
	v2 =	vshll.u32 v0, $0x10  }
0x69: {  	s10 =	simm.s32 $0x5770;
	v16 =	vld [tilespmem:s12+$0xFFFFFFF0];
	v3 =	vpop (erf);
	v0 =	vand.u32 $0xFFFF0000, v0;
	v17 =	vmul.f32 v2, v1;
	v2 =	vbroadcast v5, $0x6  }
0x6a: {  	[tilespmem:s10+$0x80] =	vst v3;
	v14 =	vmul.f32 v0, v14;
	v1 =	vbroadcast v5, $0x7  }
0x6b: {  	v5 =	vshll.u32 v8, $0x10;
	v8 =	vshll.u32 v6, $0x10;
	v6 =	vand.u32 $0xFFFF0000, v6;
	[tilespmem:s9+$0x20] =	vst v17  }
0x6c: {  	v5 =	vadd.f32 v5, v11;
	v11 =	vld [tilespmem:s8+$0x0];
	[tilespmem:s9+$0x30] =	vst v14;
	v7 =	vmul.f32 v8, v7;
	v6 =	vmul.f32 v6, v10;
	v10 =	vpop (erf)  }
0x6d: {  	v23 =	vbroadcast v3, $0x1;
	v24 =	vbroadcast v3, $0x3;
	v8 =	vshll.u32 v13, $0x10;
	v13 =	vld [tilespmem:s13+$0x20];
	[tilespmem:s10+$0xFFFFFFF0] =	vst v10  }
0x6e: {  	v8 =	vadd.f32 v8, v16;
	v14 =	vmul.f32 $2.000000030e-01, v5;
	v16 =	vbroadcast v10, $0x0;
	[tilespmem:s9+$0xFFFFFF90] =	vst v7  }
0x6f: {  	vm12 =	vge.f32 v5, $0.0e+00;
	v17 =	vbroadcast v10, $0x1;
	v18 =	vbroadcast v10, $0x2;
	v19 =	vld [tilespmem:s8+$0xFFFFFFB0];
	[tilespmem:s9+$0xFFFFFFA0] =	vst v6  }
0x70: {  	v20 =	vmul.f32 $2.000000030e-01, v8;
	v5 =	vsel vm12, v5, v14;
	v14 =	vbroadcast v3, $0x0;
	v22 =	vld [tilespmem:s13+$0xFFFFFFD0]  }
0x71: {  	vm13 =	vge.f32 v8, $0.0e+00;
	v5 =	vmul.f32 $1.442695020e+00, v5;
	v7 =	vshll.u32 v11, $0x10  }
0x72: {  	v6 =	vmul.f32 v7, v14;
	v14 =	vbroadcast v4, $0x5;
	v7 =	vshll.u32 v13, $0x10  }
0x73: {  	(erf) = vpow2.f32 v5;
	v5 =	vand.u32 $0xFFFF0000, v11;
	v7 =	vmul.f32 v7, v21  }
0x74: {  	v13 =	vand.u32 $0xFFFF0000, v13;
	[tilespmem:s10+$0x0] =	vst v6;
	v11 =	vshll.u32 v19, $0x10;
	v5 =	vmul.f32 v5, v23  }
0x75: {  	s12 =	simm.s32 $0x3F0;
	v6 =	vmul.f32 v13, v14;
	v11 =	vmul.f32 v11, v16;
	v16 =	vand.u32 $0xFFFF0000, v22;
	[tilespmem:s9+$0x40] =	vst v7  }
0x76: {  	v13 =	vbroadcast v10, $0x4;
	v7 =	vsel vm13, v8, v20;
	[tilespmem:s10+$0x10] =	vst v5;
	v15 =	vmul.f32 v16, v15;
	v16 =	vld [tilespmem:s12+$0x40]  }
0x77: {  	s16 =	simm.s32 $0x4830;
	v8 =	vand.u32 $0xFFFF0000, v19;
	[tilespmem:s9+$0x50] =	vst v6;
	v19 =	vbroadcast v10, $0x5;
	v6 =	vmul.f32 $1.442695020e+00, v7;
	v14 =	vld [tilespmem:s8+$0x10]  }
0x78: {  	v5 =	vshll.u32 v22, $0x10;
	v20 =	vld [tilespmem:s16+$0x0];
	v7 =	vmul.f32 v8, v17;
	[tilespmem:s10+$0xFFFFFF70] =	vst v11;
	v11 =	vbroadcast v10, $0x3  }
0x79: {  	v8 =	vld [tilespmem:s13+$0x30];
	v12 =	vmul.f32 v5, v12;
	(erf) = vpow2.f32 v6  }
0x7a: {  	v5 =	vbroadcast v10, $0x6;
	[tilespmem:s10+$0xFFFFFF80] =	vst v7;
	v6 =	vbroadcast v4, $0x7  }
0x7b: {  	v4 =	vbroadcast v10, $0x7;
	v10 =	vbroadcast v3, $0x2;
	v17 =	vld [tilespmem:s8+$0xFFFFFFC0]  }
0x7c: {  	v62 =	vbroadcast v3, $0x4;
	v26 =	vbroadcast v3, $0x5;
	v22 =	vld [tilespmem:s12+$0xFFFFFFF0];
	v23 =	vshll.u32 v14, $0x10  }
0x7d: {  	s24 =	simm.s32 $0x5890;
	v25 =	vld [tilespmem:s16+$0xFFFFFFF0];
	[tilespmem:s9+$0xFFFFFFB0] =	vst v12;
	v16 =	vshll.u32 v16, $0x10;
	v7 =	vpop (erf);
	v14 =	vand.u32 $0xFFFF0000, v14;
	v10 =	vmul.f32 v23, v10  }
0x7e: {  	v21 =	vand.u32 $0xFFFF0000, v8;
	v16 =	vadd.f32 v16, v20;
	[tilespmem:s24+$0x80] =	vst v7;
	v14 =	vmul.f32 v14, v24  }
0x7f: {  	v0 =	vbroadcast v3, $0x6;
	v21 =	vmul.f32 v21, v6;
	[tilespmem:s10+$0x20] =	vst v10  }
0x80: {  	v20 =	vld [tilespmem:s11+$0x0];
	v12 =	vmul.f32 $2.000000030e-01, v16;
	v23 =	vshll.u32 v17, $0x10;
	v17 =	vand.u32 $0xFFFF0000, v17;
	[tilespmem:s10+$0x30] =	vst v14  }
0x81: {  	v10 =	vshll.u32 v8, $0x10;
	v14 =	vshll.u32 v22, $0x10;
	v11 =	vmul.f32 v17, v11;
	v17 =	vld [tilespmem:s8+$0x20]  }
0x82: {  	[tilespmem:s9+$0x70] =	vst v21;
	v18 =	vmul.f32 v23, v18;
	v22 =	vmul.f32 v10, v9;
	v9 =	vadd.f32 v14, v25;
	v8 =	vpop (erf)  }
0x83: {  	v6 =	vbroadcast v7, $0x6;
	vm14 =	vge.f32 v16, $0.0e+00;
	v21 =	vbroadcast v7, $0x1;
	[tilespmem:s24+$0xFFFFFFF0] =	vst v8  }
0x84: {  	v12 =	vsel vm14, v16, v12;
	v16 =	vbroadcast v7, $0x0;
	[tilespmem:s10+$0xFFFFFF90] =	vst v18;
	v61 =	vmul.f32 $2.000000030e-01, v9;
	v18 =	vld [tilespmem:s11+$0xFFFFFFB0]  }
0x85: {  	[tilespmem:s10+$0xFFFFFFA0] =	vst v11;
	v11 =	vmul.f32 $1.442695020e+00, v12;
	vm15 =	vge.f32 v9, $0.0e+00;
	v12 =	vshll.u32 v20, $0x10  }
0x86: {  	[tilespmem:s9+$0xFFFFFFC0] =	vst v15;
	v14 =	vbroadcast v8, $0x0;
	v15 =	vld [tilespmem:s8+$0xFFFFFFD0];
	v12 =	vmul.f32 v12, v16;
	v16 =	vshll.u32 v17, $0x10  }
0x87: {  	v23 =	vbroadcast v8, $0x1;
	v17 =	vand.u32 $0xFFFF0000, v17;
	v16 =	vmul.f32 v16, v62  }
0x88: {  	v63 =	vld [tilespmem:s13+$0xFFFFFFE0];
	(erf) = vpow2.f32 v11;
	v11 =	vand.u32 $0xFFFF0000, v20;
	[tilespmem:s24+$0x0] =	vst v12;
	v12 =	vmul.f32 v17, v26  }
0x89: {  	v10 =	vbroadcast v8, $0x2;
	v11 =	vmul.f32 v11, v21;
	[tilespmem:s10+$0x40] =	vst v16;
	v17 =	vshll.u32 v18, $0x10  }
0x8a: {  	v9 =	vsel vm15, v9, v61;
	[tilespmem:s10+$0x50] =	vst v12;
	v16 =	vand.u32 $0xFFFF0000, v18;
	v14 =	vmul.f32 v17, v14  }
0x8b: {  	[tilespmem:s24+$0x10] =	vst v11;
	v12 =	vmul.f32 $1.442695020e+00, v9;
	v20 =	vshll.u32 v15, $0x10;
	v11 =	vld [tilespmem:s8+$0x30];
	v18 =	vmul.f32 v16, v23  }
0x8c: {  	v9 =	vbroadcast v8, $0x4;
	v21 =	vand.u32 $0xFFFF0000, v15;
	v20 =	vmul.f32 v20, v13;
	v17 =	vld [tilespmem:s11+$0x10];
	[tilespmem:s24+$0xFFFFFF70] =	vst v14  }
0x8d: {  	v15 =	vshll.u32 v63, $0x10;
	(erf) = vpow2.f32 v12;
	[tilespmem:s24+$0xFFFFFF80] =	vst v18;
	v14 =	vbroadcast v8, $0x5  }
0x8e: {  	s20 =	simm.s32 $0x6;
	s21 =	simm.s32 $0x490;
	s13 =	simm.s32 $0x5890;
	[tilespmem:s9+$0x60] =	vst v22;
	v19 =	vmul.f32 v21, v19;
	v16 =	vbroadcast v8, $0x3;
	v12 =	vand.u32 $0xFFFF0000, v63;
	v18 =	vld [tilespmem:s11+$0xFFFFFFC0]  }
.LBB2_3:
0x8f: {  	v13 =	vld [tilespmem:s21+$0x40];
	s16 =	sadd.s32 $0x20, s16;
	v21 =	vbroadcast v8, $0x6;
	v22 =	vbroadcast v3, $0x7;
	v3 =	vmovc v7;
	v23 =	vmov v14  }
0x90: {  	v24 =	vbroadcast v8, $0x7;
	v14 =	vld [tilespmem:s16+$0x0];
	v8 =	vbroadcast v3, $0x2;
	[tilespmem:s10+$0xFFFFFFB0] =	vst v20;
	v20 =	vand.u32 $0xFFFF0000, v11  }
0x91: {  	s24 =	sadd.s32 $0x120, s24;
	v27 =	vbroadcast v3, $0x3;
	v25 =	vld [tilespmem:s21+$0xFFFFFFF0];
	v7 =	vpop (erf);
	v26 =	vshll.u32 v17, $0x10;
	[tilespmem:s10+$0xFFFFFFC0] =	vst v19;
	v19 =	vmul.f32 v20, v22  }
0x92: {  	v17 =	vand.u32 $0xFFFF0000, v17;
	v20 =	vld [tilespmem:s16+$0xFFFFFFF0];
	[tilespmem:s24+$0x80] =	vst v7;
	v22 =	vbroadcast v7, $0x6;
	v8 =	vmul.f32 v26, v8  }
0x93: {  	v17 =	vmul.f32 v17, v27;
	v26 =	vshll.u32 v18, $0x10;
	v18 =	vand.u32 $0xFFFF0000, v18;
	v27 =	vld [tilespmem:s8+$0xFFFFFFE0];
	[tilespmem:s10+$0x70] =	vst v19;
	s8 =	smov.u32 s11;
	s11 =	smov.u32 s12;
	s12 =	smov.u32 s21  }
0x94: {  	v13 =	vshll.u32 v13, $0x10;
	v10 =	vmul.f32 v26, v10;
	v16 =	vmul.f32 v18, v16;
	[tilespmem:s13+$0x20] =	vst v8  }
0x95: {  	v15 =	vmul.f32 v15, v2;
	v2 =	vmovc v5;
	v11 =	vshll.u32 v11, $0x10;
	v13 =	vadd.f32 v13, v14;
	v14 =	vld [tilespmem:s11+$0x0];
	[tilespmem:s13+$0x30] =	vst v17  }
0x96: {  	v12 =	vmul.f32 v12, v1;
	v11 =	vmul.f32 v11, v0;
	v25 =	vshll.u32 v25, $0x10;
	v8 =	vpop (erf);
	[tilespmem:s13+$0xFFFFFF90] =	vst v10;
	v17 =	vld [tilespmem:s8+$0x20]  }
0x97: {  	s20 =	sadd.s32 $0x2, s20;
	v1 =	vmovc v4;
	v5 =	vmovc v21;
	v18 =	vadd.f32 v25, v20;
	v19 =	vmul.f32 $2.000000030e-01, v13;
	[tilespmem:s24+$0xFFFFFFF0] =	vst v8;
	v20 =	vbroadcast v8, $0x0  }
0x98: {  	p0 =	slt.u32 s20, $0x6E;
	v4 =	vmovc v24;
	v0 =	vmovc v6;
	vm0 =	vge.f32 v13, $0.0e+00;
	v25 =	vbroadcast v8, $0x1;
	v10 =	vbroadcast v8, $0x2;
	v21 =	vld [tilespmem:s11+$0xFFFFFFB0];
	[tilespmem:s13+$0xFFFFFFA0] =	vst v16  }
0x99: {  	v6 =	vmovc v22;
	v16 =	vmul.f32 $2.000000030e-01, v18;
	v13 =	vsel vm0, v13, v19;
	v19 =	vbroadcast v7, $0x0;
	v24 =	vld [tilespmem:s8+$0xFFFFFFD0];
	[tilespmem:s9+$0xFFFFFFD0] =	vst v15  }
0x9a: {  	v22 =	vbroadcast v3, $0x4;
	v13 =	vmul.f32 $1.442695020e+00, v13;
	v15 =	vshll.u32 v14, $0x10;
	[tilespmem:s9+$0xFFFFFFE0] =	vst v12;
	s9 =	smov.u32 s10;
	s10 =	smov.u32 s13;
	s13 =	smov.u32 s24  }
0x9b: {  	v12 =	vmul.f32 v15, v19;
	v15 =	vshll.u32 v17, $0x10;
	v19 =	vbroadcast v3, $0x5;
	[tilespmem:s9+$0x60] =	vst v11  }
0x9c: {  	v11 =	vbroadcast v7, $0x1;
	v17 =	vand.u32 $0xFFFF0000, v17;
	v15 =	vmul.f32 v15, v22  }
0x9d: {  	(erf) = vpow2.f32 v13;
	v13 =	vand.u32 $0xFFFF0000, v14;
	[tilespmem:s24+$0x0] =	vst v12;
	v12 =	vmul.f32 v17, v19  }
0x9e: {  	vm0 =	vge.f32 v18, $0.0e+00;
	v14 =	vshll.u32 v21, $0x10;
	v11 =	vmul.f32 v13, v11;
	[tilespmem:s10+$0x40] =	vst v15  }
.Ltmp2:
0x9f: {  	v13 =	vsel vm0, v18, v16;
	v15 =	vand.u32 $0xFFFF0000, v21;
	v14 =	vmul.f32 v14, v20;
	[tilespmem:s10+$0x50] =	vst v12;
	(pc) =	sbr.rel @p0 .LBB2_3-.Ltmp2, $4  }
0xa0: {  	v19 =	vshll.u32 v24, $0x10;
	v12 =	vmul.f32 $1.442695020e+00, v13;
	v13 =	vmul.f32 v15, v25;
	[tilespmem:s24+$0x10] =	vst v11;
	v11 =	vld [tilespmem:s8+$0x30]  }
0xa1: {  	v16 =	vbroadcast v8, $0x3;
	v21 =	vbroadcast v8, $0x4;
	v22 =	vand.u32 $0xFFFF0000, v24;
	[tilespmem:s24+$0xFFFFFF70] =	vst v14;
	v17 =	vld [tilespmem:s11+$0x10]  }
0xa2: {  	v15 =	vshll.u32 v27, $0x10;
	v14 =	vbroadcast v8, $0x5;
	(erf) = vpow2.f32 v12;
	[tilespmem:s24+$0xFFFFFF80] =	vst v13  }
0xa3: {  	s21 =	sadd.s32 $0xA0, s21;
	v20 =	vmul.f32 v19, v9;
	v19 =	vmul.f32 v22, v23;
	v9 =	vmovc v21;
	v12 =	vand.u32 $0xFFFF0000, v27;
	v18 =	vld [tilespmem:s11+$0xFFFFFFC0]  }
0xa4: {  	_ =	sdelay $0x2  }
0xa5: {  	s16 =	sadd.s32 $0x120, s24;
	v21 =	vpop (erf)  }
0xa6: {  	[tilespmem:s16+$0x80] =	vst v21  }
0xa7: {  	v22 =	vld [tilespmem:s12+$0x0];
	_ =	sdelay $0x1  }
0xa8: {  	v13 =	vpop (erf)  }
0xa9: {  	[tilespmem:s16+$0xFFFFFFF0] =	vst v13  }
0xaa: {  	v24 =	vbroadcast v21, $0x0;
	v23 =	vld [tilespmem:s12+$0xFFFFFFB0]  }
0xab: {  	v26 =	vbroadcast v21, $0x1;
	v25 =	vshll.u32 v22, $0x10  }
0xac: {  	v22 =	vand.u32 $0xFFFF0000, v22;
	v24 =	vmul.f32 v25, v24  }
0xad: {  	[tilespmem:s10+$0xFFFFFFC0] =	vst v19;
	v22 =	vmul.f32 v22, v26  }
0xae: {  	v53 =	vbroadcast v13, $0x0;
	[tilespmem:s16+$0x0] =	vst v24  }
0xaf: {  	v19 =	vbroadcast v7, $0x3;
	v54 =	vbroadcast v13, $0x1;
	[tilespmem:s16+$0x10] =	vst v22;
	v55 =	vshll.u32 v23, $0x10  }
0xb0: {  	[tilespmem:s10+$0xFFFFFFB0] =	vst v20;
	v57 =	vshll.u32 v17, $0x10;
	v56 =	vld [tilespmem:s12+$0x10];
	v20 =	vand.u32 $0xFFFF0000, v23;
	v23 =	vmul.f32 v55, v53  }
0xb1: {  	v17 =	vand.u32 $0xFFFF0000, v17;
	v22 =	vbroadcast v7, $0x2;
	v20 =	vmul.f32 v20, v54  }
0xb2: {  	v17 =	vmul.f32 v17, v19;
	[tilespmem:s16+$0xFFFFFF70] =	vst v23  }
0xb3: {  	v22 =	vmul.f32 v57, v22;
	v23 =	vshll.u32 v18, $0x10;
	[tilespmem:s16+$0xFFFFFF80] =	vst v20  }
0xb4: {  	[tilespmem:s13+$0x30] =	vst v17;
	v18 =	vand.u32 $0xFFFF0000, v18;
	v20 =	vbroadcast v21, $0x2;
	v10 =	vmul.f32 v23, v10;
	v19 =	vld [tilespmem:s12+$0xFFFFFFC0]  }
0xb5: {  	[tilespmem:s13+$0x20] =	vst v22;
	v16 =	vmul.f32 v18, v16;
	v17 =	vshll.u32 v56, $0x10;
	v18 =	vbroadcast v21, $0x3  }
0xb6: {  	v3 =	vbroadcast v3, $0x7;
	v22 =	vand.u32 $0xFFFF0000, v56;
	v17 =	vmul.f32 v17, v20;
	[tilespmem:s13+$0xFFFFFF90] =	vst v10;
	v10 =	vld [tilespmem:s11+$0x20]  }
0xb7: {  	v20 =	vand.u32 $0xFFFF0000, v11;
	[tilespmem:s13+$0xFFFFFFA0] =	vst v16;
	v16 =	vmul.f32 v22, v18  }
0xb8: {  	v3 =	vmul.f32 v20, v3;
	v18 =	vbroadcast v13, $0x2;
	[tilespmem:s16+$0x20] =	vst v17  }
0xb9: {  	v2 =	vmul.f32 v15, v2;
	v15 =	vld [tilespmem:s11+$0xFFFFFFD0];
	v17 =	vbroadcast v13, $0x3;
	[tilespmem:s16+$0x30] =	vst v16;
	v20 =	vshll.u32 v19, $0x10  }
0xba: {  	[tilespmem:s10+$0x70] =	vst v3;
	v3 =	vbroadcast v7, $0x4;
	v16 =	vand.u32 $0xFFFF0000, v19;
	v19 =	vld [tilespmem:s12+$0x20];
	v18 =	vmul.f32 v20, v18  }
0xbb: {  	[tilespmem:s9+$0xFFFFFFD0] =	vst v2;
	v20 =	vbroadcast v7, $0x5;
	v16 =	vmul.f32 v16, v17;
	v2 =	vshll.u32 v10, $0x10  }
0xbc: {  	v10 =	vand.u32 $0xFFFF0000, v10;
	v2 =	vmul.f32 v2, v3;
	[tilespmem:s16+$0xFFFFFF90] =	vst v18  }
0xbd: {  	v3 =	vmul.f32 v10, v20;
	[tilespmem:s16+$0xFFFFFFA0] =	vst v16  }
0xbe: {  	v1 =	vmul.f32 v12, v1;
	v12 =	vbroadcast v21, $0x4;
	v10 =	vld [tilespmem:s12+$0xFFFFFFD0];
	[tilespmem:s13+$0x40] =	vst v2;
	v2 =	vshll.u32 v15, $0x10  }
0xbf: {  	[tilespmem:s13+$0x50] =	vst v3;
	v3 =	vshll.u32 v19, $0x10;
	v2 =	vmul.f32 v2, v9;
	v9 =	vbroadcast v21, $0x5  }
0xc0: {  	[tilespmem:s9+$0xFFFFFFE0] =	vst v1;
	v16 =	vand.u32 $0xFFFF0000, v19;
	v1 =	vld [tilespmem:s11+$0x30];
	v3 =	vmul.f32 v3, v12  }
0xc1: {  	v15 =	vand.u32 $0xFFFF0000, v15;
	v12 =	vld [tilespmem:s8+$0xFFFFFFE0];
	[tilespmem:s13+$0xFFFFFFB0] =	vst v2;
	v2 =	vmul.f32 v16, v9  }
0xc2: {  	v14 =	vmul.f32 v15, v14;
	v9 =	vshll.u32 v11, $0x10;
	v11 =	vbroadcast v13, $0x4;
	[tilespmem:s16+$0x40] =	vst v3  }
0xc3: {  	v3 =	vbroadcast v13, $0x5;
	v0 =	vmul.f32 v9, v0;
	[tilespmem:s16+$0x50] =	vst v2;
	v2 =	vshll.u32 v10, $0x10  }
0xc4: {  	v7 =	vbroadcast v7, $0x7;
	[tilespmem:s13+$0xFFFFFFC0] =	vst v14;
	v10 =	vand.u32 $0xFFFF0000, v10;
	v9 =	vld [tilespmem:s12+$0x30];
	v2 =	vmul.f32 v2, v11  }
0xc5: {  	[tilespmem:s10+$0x60] =	vst v0;
	v0 =	vand.u32 $0xFFFF0000, v1;
	v11 =	vld [tilespmem:s11+$0xFFFFFFE0];
	v3 =	vmul.f32 v10, v3  }
0xc6: {  	v10 =	vshll.u32 v12, $0x10;
	v0 =	vmul.f32 v0, v7;
	[tilespmem:s16+$0xFFFFFFB0] =	vst v2  }
0xc7: {  	v5 =	vmul.f32 v10, v5;
	v2 =	vand.u32 $0xFFFF0000, v12;
	[tilespmem:s16+$0xFFFFFFC0] =	vst v3  }
0xc8: {  	[tilespmem:s13+$0x70] =	vst v0;
	v0 =	vshll.u32 v1, $0x10;
	v1 =	vmul.f32 v2, v4;
	v2 =	vbroadcast v21, $0x7;
	v3 =	vld [tilespmem:s12+$0xFFFFFFE0]  }
0xc9: {  	v4 =	vbroadcast v8, $0x6;
	[tilespmem:s10+$0xFFFFFFD0] =	vst v5;
	v0 =	vmul.f32 v0, v6;
	v5 =	vand.u32 $0xFFFF0000, v9  }
0xca: {  	v6 =	vbroadcast v8, $0x7;
	[tilespmem:s10+$0xFFFFFFE0] =	vst v1;
	v1 =	vshll.u32 v11, $0x10;
	v2 =	vmul.f32 v5, v2  }
0xcb: {  	v5 =	vbroadcast v21, $0x6;
	[tilespmem:s13+$0x60] =	vst v0;
	v0 =	vand.u32 $0xFFFF0000, v11;
	v1 =	vmul.f32 v1, v4  }
0xcc: {  	v4 =	vbroadcast v13, $0x6;
	v0 =	vmul.f32 v0, v6;
	[tilespmem:s16+$0x70] =	vst v2;
	v2 =	vshll.u32 v9, $0x10  }
0xcd: {  	v6 =	vbroadcast v13, $0x7;
	[tilespmem:s13+$0xFFFFFFD0] =	vst v1;
	v1 =	vshll.u32 v3, $0x10;
	v2 =	vmul.f32 v2, v5  }
0xce: {  	[tilespmem:s13+$0xFFFFFFE0] =	vst v0;
	v0 =	vand.u32 $0xFFFF0000, v3;
	v1 =	vmul.f32 v1, v4  }
0xcf: {  	v0 =	vmul.f32 v0, v6;
	[tilespmem:s16+$0x60] =	vst v2  }
0xd0: {  	p0 =	seq.s32 s3, $0x16;
	[tilespmem:s16+$0xFFFFFFD0] =	vst v1  }
0xd1: {  	s8 =	smul.u32 @!p0 $0xE0, s3;
	[tilespmem:s16+$0xFFFFFFE0] =	vst v0  }
0xd2: {  	[spmem:s2] =	stream.indirect.scatter.add.f32 [tilespmem:s30], [sflag:$0x5], $0x90, s17, s17, $0xb8;
	[tilespmem:$0x1F4E0] =	vst v63  }
0xd3: {  	s8 =	sadd.s32 @!p0 s8, s14;
	_ =	swait.ge [sflag:s23], $0x3F00  }
0xd4: {  	s8 =	sshrl.u32 @!p0 s8, $0x3;
	[sflag:s23] =	ssyncset.done $0x0  }
0xd5: {  	s9 =	sadd.s32 @!p0 s6, s8;
	s10 =	simm.s32 @!p0 $0x0;
	[sflag:s23] =	ssyncadd.s32 $0xFFFFC100  }
0xd6: {  	[tilespmem:s10], [sflag:$0x3] =	stream.linear.gather @!p0 [hbm4b:s9+s10], $0x70, $0x38;
	[tilespmem:$0x1F4E0] =	vst v63  }
0xd7: {  	s8 =	sadd.s32 @!p0 s7, s8;
	s9 =	simm.s32 @!p0 $0x70  }
0xd8: {  	[tilespmem:s9], [sflag:$0x3] =	stream.linear.gather @!p0 [hbm4b:s8+s10], $0x70, $0x38;
	[tilespmem:$0x1F4E0] =	vst v63  }
0xd9: {  	s8 =	simm.s32 @!p0 $0x3  }
0xda: {  	_ =	swait.ge @!p0 [sflag:s8], $0x70  }
0xdb: {  	[sflag:s8] =	ssyncset.done @!p0 $0x0  }
0xdc: {  	[sflag:s8] =	ssyncadd.s32 @!p0 $0xFFFFFF90  }
0xdd: {  	_ =	swait.ge @!p0 [sflag:s8], $0x70  }
0xde: {  	[sflag:s8] =	ssyncset.done @!p0 $0x0  }
0xdf: {  	[sflag:s8] =	ssyncadd.s32 @!p0 $0xFFFFFF90;
	s8 =	simm.s32 @!p0 $0x1C0  }
0xe0: {  	[tilespmem:s8], [sflag:$0x1] =	stream.indirect.gather @!p0 [hbm4b:s5+s9], $0x50, s10, s9, $0xb8;
	[tilespmem:$0x1F4E0] =	vst v63  }
0xe1: {  	s8 =	simm.s32 @!p0 $0x47C0  }
0xe2: {  	[tilespmem:s8], [sflag:$0x1] =	stream.indirect.gather @!p0 [hbm4b:s1+s9], $0x10, s9, s9, $0xb8;
	[tilespmem:$0x1F4E0] =	vst v63  }
0xe3: {  	_ =	swait.ge [sflag:s31], $0x2300  }
0xe4: {  	[sflag:s31] =	ssyncset.done $0x0  }
0xe5: {  	[sflag:s31] =	ssyncadd.s32 $0xFFFFDD00  }
0xe6: {  	_ =	swait.ge [sflag:s31], $0x700  }
0xe7: {  	[sflag:s31] =	ssyncset.done $0x0  }
0xe8: {  	s13 =	simm.s32 $0x2510;
	[sflag:s31] =	ssyncadd.s32 $0xFFFFF900  }
0xe9: {  	s20 =	simm.s32 $0x4ED0;
	v0 =	vld [tilespmem:s13+$0x40]  }
0xea: {  	v1 =	vld [tilespmem:s20+$0x0];
	_ =	sdelay $0x1  }
0xeb: {  	v2 =	vld [tilespmem:s13+$0xFFFFFFF0]  }
0xec: {  	v3 =	vld [tilespmem:s20+$0xFFFFFFF0]  }
0xed: {  	v0 =	vshll.u32 v0, $0x10  }
0xee: {  	v0 =	vadd.f32 v0, v1;
	_ =	sdelay $0x1  }
0xef: {  	v1 =	vshll.u32 v2, $0x10;
	v2 =	vmul.f32 $2.000000030e-01, v0  }
0xf0: {  	v1 =	vadd.f32 v1, v3;
	vm0 =	vge.f32 v0, $0.0e+00  }
0xf1: {  	v0 =	vsel vm0, v0, v2  }
0xf2: {  	v3 =	vmul.f32 $2.000000030e-01, v1;
	v0 =	vmul.f32 $1.442695020e+00, v0  }
0xf3: {  	vm9 =	vge.f32 v1, $0.0e+00  }
0xf4: {  	v1 =	vsel vm9, v1, v3;
	(erf) = vpow2.f32 v0  }
0xf5: {  	v0 =	vmul.f32 $1.442695020e+00, v1;
	_ =	sdelay $0x1  }
0xf6: {  	s8 =	simm.s32 $0x25B0;
	(erf) = vpow2.f32 v0  }
0xf7: {  	s21 =	simm.s32 $0x4EF0;
	v0 =	vld [tilespmem:s8+$0x40]  }
0xf8: {  	v1 =	vld [tilespmem:s21+$0x0]  }
0xf9: {  	v2 =	vld [tilespmem:s8+$0xFFFFFFF0]  }
0xfa: {  	v3 =	vld [tilespmem:s21+$0xFFFFFFF0];
	_ =	sdelay $0x1  }
0xfb: {  	s9 =	simm.s32 $0x5650;
	v0 =	vshll.u32 v0, $0x10;
	v4 =	vpop (erf)  }
0xfc: {  	v0 =	vadd.f32 v0, v1;
	[tilespmem:s9+$0x80] =	vst v4  }
0xfd: {  	v2 =	vshll.u32 v2, $0x10;
	v1 =	vld [tilespmem:s13+$0x0]  }
0xfe: {  	v2 =	vadd.f32 v2, v3;
	v6 =	vmul.f32 $2.000000030e-01, v0;
	v5 =	vpop (erf)  }
0xff: {  	vm10 =	vge.f32 v0, $0.0e+00;
	[tilespmem:s9+$0xFFFFFFF0] =	vst v5  }
0x100: {  	v9 =	vmul.f32 $2.000000030e-01, v2;
	v0 =	vsel vm10, v0, v6;
	v3 =	vld [tilespmem:s13+$0xFFFFFFB0]  }
0x101: {  	v6 =	vbroadcast v4, $0x0;
	v0 =	vmul.f32 $1.442695020e+00, v0  }
0x102: {  	vm11 =	vge.f32 v2, $0.0e+00;
	v11 =	vbroadcast v4, $0x1;
	v10 =	vshll.u32 v1, $0x10  }
0x103: {  	(erf) = vpow2.f32 v0;
	v0 =	vand.u32 $0xFFFF0000, v1;
	v6 =	vmul.f32 v10, v6  }
0x104: {  	v2 =	vsel vm11, v2, v9;
	v7 =	vbroadcast v5, $0x0;
	v0 =	vmul.f32 v0, v11  }
0x105: {  	v2 =	vmul.f32 $1.442695020e+00, v2;
	v8 =	vbroadcast v5, $0x1;
	v1 =	vshll.u32 v3, $0x10;
	[tilespmem:s9+$0x0] =	vst v6  }
0x106: {  	v3 =	vand.u32 $0xFFFF0000, v3;
	v1 =	vmul.f32 v1, v7;
	[tilespmem:s9+$0x10] =	vst v0  }
0x107: {  	(erf) = vpow2.f32 v2;
	v3 =	vmul.f32 v3, v8;
	v0 =	vld [tilespmem:s13+$0x10]  }
0x108: {  	s11 =	simm.s32 $0x2650;
	[tilespmem:s9+$0xFFFFFF70] =	vst v1  }
0x109: {  	v9 =	vbroadcast v4, $0x6;
	v14 =	vbroadcast v4, $0x3;
	v8 =	vld [tilespmem:s11+$0x40];
	[tilespmem:s9+$0xFFFFFF80] =	vst v3  }
0x10a: {  	s24 =	simm.s32 $0x4F10;
	v21 =	vbroadcast v4, $0x4;
	v12 =	vbroadcast v5, $0x4;
	v6 =	vld [tilespmem:s13+$0xFFFFFFC0]  }
0x10b: {  	v15 =	vbroadcast v5, $0x5;
	v11 =	vld [tilespmem:s24+$0x0];
	v1 =	vbroadcast v4, $0x2  }
0x10c: {  	v13 =	vld [tilespmem:s11+$0xFFFFFFF0];
	v10 =	vbroadcast v5, $0x3;
	v7 =	vbroadcast v5, $0x2;
	v2 =	vshll.u32 v0, $0x10  }
0x10d: {  	s10 =	simm.s32 $0x5770;
	v16 =	vld [tilespmem:s24+$0xFFFFFFF0];
	v3 =	vpop (erf);
	v0 =	vand.u32 $0xFFFF0000, v0;
	v17 =	vmul.f32 v2, v1;
	v2 =	vbroadcast v5, $0x6  }
0x10e: {  	[tilespmem:s10+$0x80] =	vst v3;
	v14 =	vmul.f32 v0, v14;
	v1 =	vbroadcast v5, $0x7  }
0x10f: {  	v5 =	vshll.u32 v8, $0x10;
	v8 =	vshll.u32 v6, $0x10;
	v6 =	vand.u32 $0xFFFF0000, v6;
	[tilespmem:s9+$0x20] =	vst v17  }
0x110: {  	v5 =	vadd.f32 v5, v11;
	v11 =	vld [tilespmem:s8+$0x0];
	[tilespmem:s9+$0x30] =	vst v14;
	v7 =	vmul.f32 v8, v7;
	v6 =	vmul.f32 v6, v10;
	v10 =	vpop (erf)  }
0x111: {  	v23 =	vbroadcast v3, $0x1;
	v58 =	vbroadcast v3, $0x3;
	v8 =	vshll.u32 v13, $0x10;
	v13 =	vld [tilespmem:s13+$0x20];
	[tilespmem:s10+$0xFFFFFFF0] =	vst v10  }
0x112: {  	v8 =	vadd.f32 v8, v16;
	v14 =	vmul.f32 $2.000000030e-01, v5;
	v16 =	vbroadcast v10, $0x0;
	[tilespmem:s9+$0xFFFFFF90] =	vst v7  }
0x113: {  	vm12 =	vge.f32 v5, $0.0e+00;
	v17 =	vbroadcast v10, $0x1;
	v18 =	vbroadcast v10, $0x2;
	v19 =	vld [tilespmem:s8+$0xFFFFFFB0];
	[tilespmem:s9+$0xFFFFFFA0] =	vst v6  }
0x114: {  	v20 =	vmul.f32 $2.000000030e-01, v8;
	v5 =	vsel vm12, v5, v14;
	v14 =	vbroadcast v3, $0x0;
	v22 =	vld [tilespmem:s13+$0xFFFFFFD0]  }
0x115: {  	vm13 =	vge.f32 v8, $0.0e+00;
	v5 =	vmul.f32 $1.442695020e+00, v5;
	v7 =	vshll.u32 v11, $0x10  }
0x116: {  	v6 =	vmul.f32 v7, v14;
	v14 =	vbroadcast v4, $0x5;
	v7 =	vshll.u32 v13, $0x10  }
0x117: {  	(erf) = vpow2.f32 v5;
	v5 =	vand.u32 $0xFFFF0000, v11;
	v7 =	vmul.f32 v7, v21  }
0x118: {  	v13 =	vand.u32 $0xFFFF0000, v13;
	[tilespmem:s10+$0x0] =	vst v6;
	v11 =	vshll.u32 v19, $0x10;
	v5 =	vmul.f32 v5, v23  }
0x119: {  	s12 =	simm.s32 $0x26F0;
	v6 =	vmul.f32 v13, v14;
	v11 =	vmul.f32 v11, v16;
	v16 =	vand.u32 $0xFFFF0000, v22;
	[tilespmem:s9+$0x40] =	vst v7  }
0x11a: {  	v13 =	vbroadcast v10, $0x4;
	v7 =	vsel vm13, v8, v20;
	[tilespmem:s10+$0x10] =	vst v5;
	v15 =	vmul.f32 v16, v15;
	v16 =	vld [tilespmem:s12+$0x40]  }
0x11b: {  	s16 =	simm.s32 $0x4F30;
	v8 =	vand.u32 $0xFFFF0000, v19;
	[tilespmem:s9+$0x50] =	vst v6;
	v19 =	vbroadcast v10, $0x5;
	v6 =	vmul.f32 $1.442695020e+00, v7;
	v14 =	vld [tilespmem:s8+$0x10]  }
0x11c: {  	v5 =	vshll.u32 v22, $0x10;
	v20 =	vld [tilespmem:s16+$0x0];
	v7 =	vmul.f32 v8, v17;
	[tilespmem:s10+$0xFFFFFF70] =	vst v11;
	v11 =	vbroadcast v10, $0x3  }
0x11d: {  	v8 =	vld [tilespmem:s13+$0x30];
	v12 =	vmul.f32 v5, v12;
	(erf) = vpow2.f32 v6  }
0x11e: {  	v5 =	vbroadcast v10, $0x6;
	[tilespmem:s10+$0xFFFFFF80] =	vst v7;
	v6 =	vbroadcast v4, $0x7  }
0x11f: {  	v4 =	vbroadcast v10, $0x7;
	v10 =	vbroadcast v3, $0x2;
	v17 =	vld [tilespmem:s8+$0xFFFFFFC0]  }
0x120: {  	v61 =	vbroadcast v3, $0x4;
	v62 =	vbroadcast v3, $0x5;
	v22 =	vld [tilespmem:s12+$0xFFFFFFF0];
	v23 =	vshll.u32 v14, $0x10  }
0x121: {  	v59 =	vld [tilespmem:s16+$0xFFFFFFF0];
	s24 =	simm.s32 $0x5890;
	[tilespmem:s9+$0xFFFFFFB0] =	vst v12;
	v16 =	vshll.u32 v16, $0x10;
	v7 =	vpop (erf);
	v14 =	vand.u32 $0xFFFF0000, v14;
	v10 =	vmul.f32 v23, v10  }
0x122: {  	v21 =	vand.u32 $0xFFFF0000, v8;
	v16 =	vadd.f32 v16, v20;
	[tilespmem:s24+$0x80] =	vst v7;
	v14 =	vmul.f32 v14, v58  }
0x123: {  	v0 =	vbroadcast v3, $0x6;
	v21 =	vmul.f32 v21, v6;
	[tilespmem:s10+$0x20] =	vst v10  }
0x124: {  	v20 =	vld [tilespmem:s11+$0x0];
	v12 =	vmul.f32 $2.000000030e-01, v16;
	v23 =	vshll.u32 v17, $0x10;
	v17 =	vand.u32 $0xFFFF0000, v17;
	[tilespmem:s10+$0x30] =	vst v14  }
0x125: {  	v10 =	vshll.u32 v8, $0x10;
	v14 =	vshll.u32 v22, $0x10;
	v11 =	vmul.f32 v17, v11;
	v17 =	vld [tilespmem:s8+$0x20]  }
0x126: {  	[tilespmem:s9+$0x70] =	vst v21;
	v18 =	vmul.f32 v23, v18;
	v22 =	vmul.f32 v10, v9;
	v9 =	vadd.f32 v14, v59;
	v8 =	vpop (erf)  }
0x127: {  	v6 =	vbroadcast v7, $0x6;
	vm14 =	vge.f32 v16, $0.0e+00;
	v21 =	vbroadcast v7, $0x1;
	[tilespmem:s24+$0xFFFFFFF0] =	vst v8  }
0x128: {  	v12 =	vsel vm14, v16, v12;
	v16 =	vbroadcast v7, $0x0;
	[tilespmem:s10+$0xFFFFFF90] =	vst v18;
	v60 =	vmul.f32 $2.000000030e-01, v9;
	v18 =	vld [tilespmem:s11+$0xFFFFFFB0]  }
0x129: {  	[tilespmem:s10+$0xFFFFFFA0] =	vst v11;
	v11 =	vmul.f32 $1.442695020e+00, v12;
	vm15 =	vge.f32 v9, $0.0e+00;
	v12 =	vshll.u32 v20, $0x10  }
0x12a: {  	[tilespmem:s9+$0xFFFFFFC0] =	vst v15;
	v14 =	vbroadcast v8, $0x0;
	v15 =	vld [tilespmem:s8+$0xFFFFFFD0];
	v12 =	vmul.f32 v12, v16;
	v16 =	vshll.u32 v17, $0x10  }
0x12b: {  	v23 =	vbroadcast v8, $0x1;
	v17 =	vand.u32 $0xFFFF0000, v17;
	v16 =	vmul.f32 v16, v61  }
0x12c: {  	v63 =	vld [tilespmem:s13+$0xFFFFFFE0];
	(erf) = vpow2.f32 v11;
	v11 =	vand.u32 $0xFFFF0000, v20;
	[tilespmem:s24+$0x0] =	vst v12;
	v12 =	vmul.f32 v17, v62  }
0x12d: {  	v10 =	vbroadcast v8, $0x2;
	v11 =	vmul.f32 v11, v21;
	[tilespmem:s10+$0x40] =	vst v16;
	v17 =	vshll.u32 v18, $0x10  }
0x12e: {  	v9 =	vsel vm15, v9, v60;
	[tilespmem:s10+$0x50] =	vst v12;
	v16 =	vand.u32 $0xFFFF0000, v18;
	v14 =	vmul.f32 v17, v14  }
0x12f: {  	[tilespmem:s24+$0x10] =	vst v11;
	v12 =	vmul.f32 $1.442695020e+00, v9;
	v20 =	vshll.u32 v15, $0x10;
	v11 =	vld [tilespmem:s8+$0x30];
	v18 =	vmul.f32 v16, v23  }
0x130: {  	v9 =	vbroadcast v8, $0x4;
	v21 =	vand.u32 $0xFFFF0000, v15;
	v20 =	vmul.f32 v20, v13;
	v17 =	vld [tilespmem:s11+$0x10];
	[tilespmem:s24+$0xFFFFFF70] =	vst v14  }
0x131: {  	v15 =	vshll.u32 v63, $0x10;
	(erf) = vpow2.f32 v12;
	[tilespmem:s24+$0xFFFFFF80] =	vst v18;
	v14 =	vbroadcast v8, $0x5  }
0x132: {  	s20 =	simm.s32 $0x6;
	s21 =	simm.s32 $0x2790;
	s13 =	simm.s32 $0x5890;
	[tilespmem:s9+$0x60] =	vst v22;
	v19 =	vmul.f32 v21, v19;
	v16 =	vbroadcast v8, $0x3;
	v12 =	vand.u32 $0xFFFF0000, v63;
	v18 =	vld [tilespmem:s11+$0xFFFFFFC0]  }
.LBB2_5:
0x133: {  	v13 =	vld [tilespmem:s21+$0x40];
	s16 =	sadd.s32 $0x20, s16;
	v21 =	vbroadcast v8, $0x6;
	v22 =	vbroadcast v3, $0x7;
	v3 =	vmovc v7;
	v23 =	vmov v14  }
0x134: {  	v24 =	vbroadcast v8, $0x7;
	v14 =	vld [tilespmem:s16+$0x0];
	v8 =	vbroadcast v3, $0x2;
	[tilespmem:s10+$0xFFFFFFB0] =	vst v20;
	v20 =	vand.u32 $0xFFFF0000, v11  }
0x135: {  	s24 =	sadd.s32 $0x120, s24;
	v27 =	vbroadcast v3, $0x3;
	v25 =	vld [tilespmem:s21+$0xFFFFFFF0];
	v7 =	vpop (erf);
	v26 =	vshll.u32 v17, $0x10;
	[tilespmem:s10+$0xFFFFFFC0] =	vst v19;
	v19 =	vmul.f32 v20, v22  }
0x136: {  	v17 =	vand.u32 $0xFFFF0000, v17;
	v20 =	vld [tilespmem:s16+$0xFFFFFFF0];
	[tilespmem:s24+$0x80] =	vst v7;
	v22 =	vbroadcast v7, $0x6;
	v8 =	vmul.f32 v26, v8  }
0x137: {  	v17 =	vmul.f32 v17, v27;
	v26 =	vshll.u32 v18, $0x10;
	v18 =	vand.u32 $0xFFFF0000, v18;
	v27 =	vld [tilespmem:s8+$0xFFFFFFE0];
	[tilespmem:s10+$0x70] =	vst v19;
	s8 =	smov.u32 s11;
	s11 =	smov.u32 s12;
	s12 =	smov.u32 s21  }
0x138: {  	v13 =	vshll.u32 v13, $0x10;
	v10 =	vmul.f32 v26, v10;
	v16 =	vmul.f32 v18, v16;
	[tilespmem:s13+$0x20] =	vst v8  }
0x139: {  	v15 =	vmul.f32 v15, v2;
	v2 =	vmovc v5;
	v11 =	vshll.u32 v11, $0x10;
	v13 =	vadd.f32 v13, v14;
	v14 =	vld [tilespmem:s11+$0x0];
	[tilespmem:s13+$0x30] =	vst v17  }
0x13a: {  	v12 =	vmul.f32 v12, v1;
	v11 =	vmul.f32 v11, v0;
	v25 =	vshll.u32 v25, $0x10;
	v8 =	vpop (erf);
	[tilespmem:s13+$0xFFFFFF90] =	vst v10;
	v17 =	vld [tilespmem:s8+$0x20]  }
0x13b: {  	s20 =	sadd.s32 $0x2, s20;
	v1 =	vmovc v4;
	v5 =	vmovc v21;
	v18 =	vadd.f32 v25, v20;
	v19 =	vmul.f32 $2.000000030e-01, v13;
	[tilespmem:s24+$0xFFFFFFF0] =	vst v8;
	v20 =	vbroadcast v8, $0x0  }
0x13c: {  	p1 =	slt.u32 s20, $0x6E;
	v4 =	vmovc v24;
	v0 =	vmovc v6;
	vm0 =	vge.f32 v13, $0.0e+00;
	v25 =	vbroadcast v8, $0x1;
	v10 =	vbroadcast v8, $0x2;
	v21 =	vld [tilespmem:s11+$0xFFFFFFB0];
	[tilespmem:s13+$0xFFFFFFA0] =	vst v16  }
0x13d: {  	v6 =	vmovc v22;
	v16 =	vmul.f32 $2.000000030e-01, v18;
	v13 =	vsel vm0, v13, v19;
	v19 =	vbroadcast v7, $0x0;
	v24 =	vld [tilespmem:s8+$0xFFFFFFD0];
	[tilespmem:s9+$0xFFFFFFD0] =	vst v15  }
0x13e: {  	v22 =	vbroadcast v3, $0x4;
	v13 =	vmul.f32 $1.442695020e+00, v13;
	v15 =	vshll.u32 v14, $0x10;
	[tilespmem:s9+$0xFFFFFFE0] =	vst v12;
	s9 =	smov.u32 s10;
	s10 =	smov.u32 s13;
	s13 =	smov.u32 s24  }
0x13f: {  	v12 =	vmul.f32 v15, v19;
	v15 =	vshll.u32 v17, $0x10;
	v19 =	vbroadcast v3, $0x5;
	[tilespmem:s9+$0x60] =	vst v11  }
0x140: {  	v11 =	vbroadcast v7, $0x1;
	v17 =	vand.u32 $0xFFFF0000, v17;
	v15 =	vmul.f32 v15, v22  }
0x141: {  	(erf) = vpow2.f32 v13;
	v13 =	vand.u32 $0xFFFF0000, v14;
	[tilespmem:s24+$0x0] =	vst v12;
	v12 =	vmul.f32 v17, v19  }
0x142: {  	vm0 =	vge.f32 v18, $0.0e+00;
	v14 =	vshll.u32 v21, $0x10;
	v11 =	vmul.f32 v13, v11;
	[tilespmem:s10+$0x40] =	vst v15  }
.Ltmp3:
0x143: {  	v13 =	vsel vm0, v18, v16;
	v15 =	vand.u32 $0xFFFF0000, v21;
	v14 =	vmul.f32 v14, v20;
	[tilespmem:s10+$0x50] =	vst v12;
	(pc) =	sbr.rel @p1 .LBB2_5-.Ltmp3, $4  }
0x144: {  	v19 =	vshll.u32 v24, $0x10;
	v12 =	vmul.f32 $1.442695020e+00, v13;
	v13 =	vmul.f32 v15, v25;
	[tilespmem:s24+$0x10] =	vst v11;
	v11 =	vld [tilespmem:s8+$0x30]  }
0x145: {  	v16 =	vbroadcast v8, $0x3;
	v21 =	vbroadcast v8, $0x4;
	v22 =	vand.u32 $0xFFFF0000, v24;
	[tilespmem:s24+$0xFFFFFF70] =	vst v14;
	v17 =	vld [tilespmem:s11+$0x10]  }
0x146: {  	v15 =	vshll.u32 v27, $0x10;
	v14 =	vbroadcast v8, $0x5;
	(erf) = vpow2.f32 v12;
	[tilespmem:s24+$0xFFFFFF80] =	vst v13  }
0x147: {  	s21 =	sadd.s32 $0xA0, s21;
	v20 =	vmul.f32 v19, v9;
	v19 =	vmul.f32 v22, v23;
	v9 =	vmovc v21;
	v12 =	vand.u32 $0xFFFF0000, v27;
	v18 =	vld [tilespmem:s11+$0xFFFFFFC0]  }
0x148: {  	_ =	sdelay $0x3  }
0x149: {  	s16 =	sadd.s32 $0x120, s24;
	v21 =	vpop (erf)  }
0x14a: {  	[tilespmem:s16+$0x80] =	vst v21  }
0x14b: {  	v22 =	vld [tilespmem:s12+$0x0]  }
0x14c: {  	v13 =	vpop (erf)  }
0x14d: {  	[tilespmem:s16+$0xFFFFFFF0] =	vst v13  }
0x14e: {  	v23 =	vld [tilespmem:s12+$0xFFFFFFB0]  }
0x14f: {  	v24 =	vbroadcast v21, $0x0  }
0x150: {  	v26 =	vbroadcast v21, $0x1;
	v25 =	vshll.u32 v22, $0x10  }
0x151: {  	v22 =	vand.u32 $0xFFFF0000, v22;
	v24 =	vmul.f32 v25, v24  }
0x152: {  	[tilespmem:s10+$0xFFFFFFB0] =	vst v20;
	v43 =	vbroadcast v13, $0x0;
	v22 =	vmul.f32 v22, v26  }
0x153: {  	v44 =	vbroadcast v13, $0x1;
	[tilespmem:s16+$0x0] =	vst v24;
	v45 =	vshll.u32 v23, $0x10  }
0x154: {  	[tilespmem:s16+$0x10] =	vst v22;
	v23 =	vand.u32 $0xFFFF0000, v23;
	v22 =	vmul.f32 v45, v43  }
0x155: {  	v46 =	vbroadcast v7, $0x2;
	[tilespmem:s10+$0xFFFFFFC0] =	vst v19;
	v47 =	vld [tilespmem:s12+$0x10];
	v23 =	vmul.f32 v23, v44  }
0x156: {  	v49 =	vbroadcast v7, $0x3;
	v2 =	vmul.f32 v15, v2;
	v48 =	vshll.u32 v17, $0x10;
	[tilespmem:s16+$0xFFFFFF70] =	vst v22  }
0x157: {  	v50 =	vand.u32 $0xFFFF0000, v17;
	v19 =	vmul.f32 v48, v46;
	[tilespmem:s16+$0xFFFFFF80] =	vst v23  }
0x158: {  	[tilespmem:s9+$0xFFFFFFD0] =	vst v2;
	v17 =	vmul.f32 v50, v49;
	v51 =	vshll.u32 v18, $0x10;
	v53 =	vld [tilespmem:s12+$0xFFFFFFC0]  }
0x159: {  	v54 =	vbroadcast v21, $0x2;
	v52 =	vand.u32 $0xFFFF0000, v18;
	v10 =	vmul.f32 v51, v10;
	[tilespmem:s13+$0x20] =	vst v19  }
0x15a: {  	v56 =	vbroadcast v21, $0x3;
	v16 =	vmul.f32 v52, v16;
	[tilespmem:s13+$0x30] =	vst v17;
	v55 =	vshll.u32 v47, $0x10  }
0x15b: {  	v57 =	vld [tilespmem:s11+$0x20];
	[tilespmem:s13+$0xFFFFFF90] =	vst v10;
	v58 =	vand.u32 $0xFFFF0000, v47;
	v17 =	vmul.f32 v55, v54  }
0x15c: {  	[tilespmem:s13+$0xFFFFFFA0] =	vst v16;
	v61 =	vbroadcast v13, $0x2;
	v60 =	vmul.f32 v58, v56  }
0x15d: {  	v1 =	vmul.f32 v12, v1;
	v62 =	vld [tilespmem:s11+$0xFFFFFFD0];
	v63 =	vbroadcast v13, $0x3;
	[tilespmem:s16+$0x20] =	vst v17;
	v24 =	vshll.u32 v53, $0x10  }
0x15e: {  	v3 =	vbroadcast v3, $0x7;
	[tilespmem:s16+$0x30] =	vst v60;
	v26 =	vand.u32 $0xFFFF0000, v53;
	v18 =	vmul.f32 v24, v61  }
0x15f: {  	v59 =	vand.u32 $0xFFFF0000, v11;
	[tilespmem:s9+$0xFFFFFFE0] =	vst v1;
	v25 =	vbroadcast v7, $0x4;
	v27 =	vld [tilespmem:s12+$0x20];
	v16 =	vmul.f32 v26, v63  }
0x160: {  	v29 =	vbroadcast v7, $0x5;
	v3 =	vmul.f32 v59, v3;
	v28 =	vshll.u32 v57, $0x10;
	[tilespmem:s16+$0xFFFFFF90] =	vst v18  }
0x161: {  	v10 =	vand.u32 $0xFFFF0000, v57;
	v2 =	vmul.f32 v28, v25;
	[tilespmem:s16+$0xFFFFFFA0] =	vst v16  }
0x162: {  	[tilespmem:s10+$0x70] =	vst v3;
	v30 =	vmul.f32 v10, v29;
	v31 =	vshll.u32 v62, $0x10;
	v32 =	vld [tilespmem:s12+$0xFFFFFFD0]  }
0x163: {  	v33 =	vbroadcast v21, $0x4;
	v15 =	vand.u32 $0xFFFF0000, v62;
	[tilespmem:s13+$0x40] =	vst v2;
	v2 =	vmul.f32 v31, v9  }
0x164: {  	v38 =	vld [tilespmem:s8+$0xFFFFFFE0];
	v35 =	vbroadcast v21, $0x5;
	[tilespmem:s13+$0x50] =	vst v30;
	v14 =	vmul.f32 v15, v14;
	v34 =	vshll.u32 v27, $0x10  }
0x165: {  	v36 =	vld [tilespmem:s11+$0x30];
	[tilespmem:s13+$0xFFFFFFB0] =	vst v2;
	v37 =	vand.u32 $0xFFFF0000, v27;
	v3 =	vmul.f32 v34, v33  }
0x166: {  	v40 =	vshll.u32 v11, $0x10;
	v41 =	vbroadcast v13, $0x4;
	[tilespmem:s13+$0xFFFFFFC0] =	vst v14;
	v39 =	vmul.f32 v37, v35  }
0x167: {  	v0 =	vmul.f32 v40, v0;
	v42 =	vbroadcast v13, $0x5;
	[tilespmem:s16+$0x40] =	vst v3;
	v43 =	vshll.u32 v32, $0x10  }
0x168: {  	v47 =	vld [tilespmem:s11+$0xFFFFFFE0];
	[tilespmem:s16+$0x50] =	vst v39;
	v10 =	vand.u32 $0xFFFF0000, v32;
	v2 =	vmul.f32 v43, v41  }
0x169: {  	[tilespmem:s10+$0x60] =	vst v0;
	v48 =	vshll.u32 v38, $0x10;
	v44 =	vbroadcast v7, $0x7;
	v45 =	vld [tilespmem:s12+$0x30];
	v3 =	vmul.f32 v10, v42  }
0x16a: {  	v5 =	vmul.f32 v48, v5;
	v46 =	vand.u32 $0xFFFF0000, v36;
	[tilespmem:s16+$0xFFFFFFB0] =	vst v2  }
0x16b: {  	v49 =	vand.u32 $0xFFFF0000, v38;
	v0 =	vmul.f32 v46, v44;
	[tilespmem:s16+$0xFFFFFFC0] =	vst v3  }
0x16c: {  	v51 =	vmul.f32 v49, v4;
	[tilespmem:s10+$0xFFFFFFD0] =	vst v5;
	v50 =	vshll.u32 v36, $0x10;
	v53 =	vbroadcast v8, $0x6;
	v3 =	vld [tilespmem:s12+$0xFFFFFFE0]  }
0x16d: {  	v52 =	vbroadcast v21, $0x7;
	[tilespmem:s13+$0x70] =	vst v0;
	v0 =	vmul.f32 v50, v6;
	v56 =	vshll.u32 v47, $0x10  }
0x16e: {  	[tilespmem:s10+$0xFFFFFFE0] =	vst v51;
	v55 =	vbroadcast v8, $0x7;
	v1 =	vmul.f32 v56, v53;
	v54 =	vand.u32 $0xFFFF0000, v45  }
0x16f: {  	v57 =	vbroadcast v21, $0x6;
	v58 =	vand.u32 $0xFFFF0000, v47;
	[tilespmem:s13+$0x60] =	vst v0;
	v2 =	vmul.f32 v54, v52  }
0x170: {  	v59 =	vbroadcast v13, $0x6;
	v0 =	vmul.f32 v58, v55;
	[tilespmem:s13+$0xFFFFFFD0] =	vst v1;
	v60 =	vshll.u32 v45, $0x10  }
0x171: {  	v61 =	vbroadcast v13, $0x7;
	[tilespmem:s16+$0x70] =	vst v2;
	v2 =	vmul.f32 v60, v57;
	v62 =	vshll.u32 v3, $0x10  }
0x172: {  	[tilespmem:s13+$0xFFFFFFE0] =	vst v0;
	v63 =	vand.u32 $0xFFFF0000, v3;
	v1 =	vmul.f32 v62, v59  }
0x173: {  	[tilespmem:s16+$0x60] =	vst v2;
	v0 =	vmul.f32 v63, v61  }
0x174: {  	[tilespmem:s16+$0xFFFFFFD0] =	vst v1  }
.Ltmp4:
0x175: {  	[tilespmem:s16+$0xFFFFFFE0] =	vst v0;
	(pc) =	sbr.rel @p0 .LBB2_8-.Ltmp4, $4  }
0x176: {  	[spmem:s2] =	stream.indirect.scatter.add.f32 [tilespmem:s30], [sflag:$0x5], $0x90, s19, s17, $0xb8;
	[tilespmem:$0x1F4E0] =	vst v63  }
0x177: {  	_ =	swait.ge [sflag:s23], $0x3F00  }
0x178: {  	[sflag:s23] =	ssyncset.done $0x0  }
0x179: {  	[sflag:s23] =	ssyncadd.s32 $0xFFFFC100  }
0x17a: {  	s8 =	smul.u32 $0xE0, s3;
	_ =	sdelay $0x1  }
0x17b: {  	s8 =	sadd.s32 s8, s15  }
.Ltmp5:
0x17c: {  	s8 =	sshrl.u32 s8, $0x3;
	(pc) =	sbr.rel .LBB2_2-.Ltmp5, $4  }
0x17d: {  	s9 =	sadd.s32 s6, s8  }
0x17e: {  	[tilespmem:s18], [sflag:$0x4] =	stream.linear.gather [hbm4b:s9+s4], $0x70, $0x38;
	[tilespmem:$0x1F4E0] =	vst v63  }
0x17f: {  	s3 =	sadd.s32 $0x1, s3;
	s8 =	sadd.s32 s7, s8  }
0x180: {  	[tilespmem:s19], [sflag:$0x4] =	stream.linear.gather [hbm4b:s8+s4], $0x70, $0x38;
	[tilespmem:$0x1F4E0] =	vst v63  }
.LBB2_9:
0x181: {  	_ =	sfence.sel $0x180000  }
0x182: {  	[bflag:$0x0] =	sbarrier.arrive $0xFFFF  }
0x183: {  	_ =	strace $0x90000047  }
0x184: {  	s0 =	stileid.u32;
	[bflag:$0x2] =	sbarrier.arrive $0xFFFF  }
0x185: {  	p0 =	sne.s32 s0, $0x0;
	s0 =	rddreg [dreg:$0x3]  }
0x186: {  	s0 =	sadd.s32 @!p0 $0x100000, s0  }
0x187: {  	[sflag:s0] =	ssyncadd.tile.s32 @!p0 $0x1;
	_ =	shalt  }
.Lfunc_end2:
_tile_overlayer_lowered:
.L_overlay_start_2:
0x188: {  	(tag) =	ssettag $0x2  }
0x189: {  	s0 =	rddreg [dreg:$0x0];
	s2 =	stileid.u32  }
0x18a: {  	s1 =	rddreg [dreg:$0x1];
	p0 =	sne.s32 s2, $0x0  }
0x18b: {  	s3 =	rddreg [dreg:$0x2];
	[bflag:$0x3] =	sbarrier.arrive $0xFFFF;
	s2 =	simm.s32 @!p0 $0x1C05  }
0x18c: {  	[timem:s3], [sflag:s2] =	dma.local @!p0 [hbm:s0], s1  }
0x18d: {  	s0 =	simm.s32 @!p0 $0x5  }
0x18e: {  	_ =	swait.ge @!p0 [sflag:s0], s1  }
0x18f: {  	s1 =	ssub.s32 @!p0 $0x0, s1;
	[sflag:s0] =	ssyncset.done @!p0 $0x0  }
0x190: {  	[sflag:s0] =	ssyncadd.s32 @!p0 s1  }
0x191: {  	[bflag:$0x3] =	sbarrier.arrive $0xFFFF  }
0x192: {  	_ =	shalt  }

</sc_bundles>
